<compile_context>
chip_gen: v7x
topology: tpu7x:2x2x1
jax: 0.10.2.dev20260603
libtpu: 0.0.44.dev20260713+nightly
codegen_flags: <defaults>
</compile_context>

<pallas_src>
import functools

import jax
import jax.numpy as jnp
from jax import lax
from jax.experimental import pallas as pl
from jax.experimental.pallas import tpu as pltpu
from jax.experimental.pallas import tpu_sc as plsc

EMB = 128
NROWS = 65
N = 100000
CHUNK = 80
NCHUNKS = N // CHUNK
NW = 32
NB = 6
LEAD = 3
NFULL = 39


def _body(w_hbm, z_hbm, out_hbm, w_sh, idx_v, *scratch):
    rows = scratch[0:NB]
    gsem = scratch[NB:2 * NB]
    osem = scratch[2 * NB:3 * NB]
    isem = scratch[3 * NB]
    wid = lax.axis_index("s") * 2 + lax.axis_index("c")
    has_extra = wid < NCHUNKS - NFULL * NW

    def chunk_base(t):
        return (wid + t * NW) * CHUNK

    def idx_desc(t):
        return pltpu.make_async_copy(
            z_hbm.at[pl.ds(chunk_base(t), CHUNK)], idx_v.at[t], isem)

    @pl.when(lax.axis_index("s") == 0)
    def _():
        pltpu.sync_copy(w_hbm, w_sh.at[pl.ds(1, NROWS - 1)])

    n_idx = NFULL + jnp.where(has_extra, 1, 0)
    lax.fori_loop(0, n_idx, lambda t, c: (idx_desc(t).start(), c)[1], 0)

    plsc.subcore_barrier()

    lax.fori_loop(0, n_idx, lambda t, c: (idx_desc(t).wait(), c)[1], 0)

    def gather_desc(t, u):
        return pltpu.make_async_copy(w_sh.at[idx_v.at[t]], rows[u], gsem[u])

    def out_desc(t, u):
        return pltpu.make_async_copy(
            rows[u], out_hbm.at[pl.ds(chunk_base(t), CHUNK)], osem[u])

    for u in range(LEAD):
        gather_desc(u, u).start()

    for i in range(NB):
        gather_desc(i, i).wait()
        out_desc(i, i).start()
        if i < LEAD:
            gather_desc(i + LEAD, i + LEAD).start()
        else:
            out_desc(i - LEAD, i - LEAD).wait()
            gather_desc(i + LEAD, i - LEAD).start()

    def steady(gg, carry):
        t0 = gg * NB
        for i in range(NB):
            t = t0 + i
            v = (i + LEAD) % NB
            gather_desc(t, i).wait()
            out_desc(t, i).start()
            out_desc(t - LEAD, v).wait()
            gather_desc(t + LEAD, v).start()
        return carry

    lax.fori_loop(1, NFULL // NB, steady, 0)

    out_desc(NFULL - 2 * LEAD, LEAD).wait()

    @pl.when(has_extra)
    def _():
        gather_desc(NFULL, LEAD).start()

    for i in range(LEAD):
        gather_desc(NFULL - LEAD + i, i).wait()
        out_desc(NFULL - LEAD + i, i).start()
    for i in range(1, LEAD):
        out_desc(NFULL - 2 * LEAD + i, LEAD + i).wait()

    @pl.when(has_extra)
    def _():
        gather_desc(NFULL, LEAD).wait()
        out_desc(NFULL, LEAD).start()

    for i in range(LEAD):
        out_desc(NFULL - LEAD + i, i).wait()

    @pl.when(has_extra)
    def _():
        out_desc(NFULL, LEAD).wait()


def kernel(Z, W):
    mesh = plsc.VectorSubcoreMesh(core_axis_name="c", subcore_axis_name="s")
    k = functools.partial(
        pl.kernel,
        mesh=mesh,
        out_type=jax.ShapeDtypeStruct((N, EMB), jnp.float32),
        scratch_types=(
            [pltpu.VMEM_SHARED((NROWS, EMB), jnp.float32),
             pltpu.VMEM((NFULL + 1, CHUNK), jnp.int32)]
            + [pltpu.VMEM((CHUNK, EMB), jnp.float32) for _ in range(NB)]
            + [pltpu.SemaphoreType.DMA for _ in range(2 * NB + 1)]
        ),
    )(_body)
    return k(W, Z)

# --- scband reference (transcript-rebuilt; emitter-appended) ---
"""Pipeline reference for scband-atom-embedding-17978733101108 (READ-ONLY COPY).

The authoritative reference and input builder live on the scoring server;
editing this copy changes nothing except your own understanding.
"""

import jax, jax.numpy as jnp
import numpy as np

EMB_SIZE = 128
NUM_TYPES = 64
N_ATOMS = 100000

def setup_inputs(seed: int = 0) -> dict:
    key = jax.random.key(seed)
    k_z, k_w = jax.random.split(key)
    # Atomic numbers Z in [1, 64] (module computes Z - 1 as the index)
    Z = jax.random.randint(k_z, (N_ATOMS,), 1, NUM_TYPES + 1, dtype=jnp.int64) if jax.config.jax_enable_x64 else jax.random.randint(k_z, (N_ATOMS,), 1, NUM_TYPES + 1, dtype=jnp.int32)
    # Embedding table initialized uniform(-sqrt(3), sqrt(3)) like the torch module
    s = np.sqrt(3.0)
    W = jax.random.uniform(k_w, (NUM_TYPES, EMB_SIZE), dtype=jnp.float32, minval=-s, maxval=s)
    return {"Z": Z, "W": W}

def reference(Z, W):
    # h = embeddings(Z - 1)
    h = jnp.take(W, Z - 1, axis=0)
    return h

if __name__ == "__main__":
    import jax
    _d = setup_inputs()
    print(jax.jit(kernel)(*tuple(_d.values())))

</pallas_src>

<mosaic_0001>
#map = affine_map<(d0, d1) -> (0, 0)>
#map1 = affine_map<(d0, d1) -> (0)>
module attributes {stable_mosaic.version = 14 : i64} {
  func.func @_body(%arg0: i32, %arg1: i32, %arg2: memref<64x128xf32, #tpu.memory_space<hbm>>, %arg3: memref<100000xi32, #tpu.memory_space<hbm>>, %arg4: memref<100000x128xf32, #tpu.memory_space<hbm>>, %arg5: memref<65x128xf32, #tpu.memory_space<vmem_shared>>, %arg6: memref<40x80xi32, #tpu.memory_space<vmem>>, %arg7: memref<80x128xf32, #tpu.memory_space<vmem>>, %arg8: memref<80x128xf32, #tpu.memory_space<vmem>>, %arg9: memref<80x128xf32, #tpu.memory_space<vmem>>, %arg10: memref<80x128xf32, #tpu.memory_space<vmem>>, %arg11: memref<80x128xf32, #tpu.memory_space<vmem>>, %arg12: memref<80x128xf32, #tpu.memory_space<vmem>>, %arg13: memref<!tpu.dma_semaphore, #tpu.memory_space<semaphore_mem>>, %arg14: memref<!tpu.dma_semaphore, #tpu.memory_space<semaphore_mem>>, %arg15: memref<!tpu.dma_semaphore, #tpu.memory_space<semaphore_mem>>, %arg16: memref<!tpu.dma_semaphore, #tpu.memory_space<semaphore_mem>>, %arg17: memref<!tpu.dma_semaphore, #tpu.memory_space<semaphore_mem>>, %arg18: memref<!tpu.dma_semaphore, #tpu.memory_space<semaphore_mem>>, %arg19: memref<!tpu.dma_semaphore, #tpu.memory_space<semaphore_mem>>, %arg20: memref<!tpu.dma_semaphore, #tpu.memory_space<semaphore_mem>>, %arg21: memref<!tpu.dma_semaphore, #tpu.memory_space<semaphore_mem>>, %arg22: memref<!tpu.dma_semaphore, #tpu.memory_space<semaphore_mem>>, %arg23: memref<!tpu.dma_semaphore, #tpu.memory_space<semaphore_mem>>, %arg24: memref<!tpu.dma_semaphore, #tpu.memory_space<semaphore_mem>>, %arg25: memref<!tpu.dma_semaphore, #tpu.memory_space<semaphore_mem>>) attributes {dimension_semantics = [#tpu.dimension_semantics<core_parallel>, #tpu.dimension_semantics<subcore_parallel>], iteration_bounds = array<i64: 2, 16>, scalar_prefetch = 0 : i64, scratch_operands = 21 : i64, tpu.core_type = #tpu.core_type<sc_vector_subcore>, window_params = [{transform_indices = #map}, {transform_indices = #map1}, {transform_indices = #map}]} {
    %mul3A = arith.constant 2 : i32
    %mul3A_0 = arith.muli %arg1, %mul3A : i32
    %add3A = arith.addi %mul3A_0, %arg0 : i32
    %lt3A = arith.constant 2 : i32
    %lt3A_1 = arith.cmpi slt, %add3A, %lt3A : i32
    %eq3A = arith.constant 0 : i32
    %eq3A_2 = arith.cmpi eq, %arg1, %eq3A : i32
    %convert_element_type3A = arith.extui %eq3A_2 : i1 to i32
    %cond3A = arith.constant 0 : i32
    %cond3A_3 = arith.cmpi ne, %convert_element_type3A, %cond3A : i32
    scf.if %cond3A_3 {
      "tpu.region"() ({
        %run_scoped3A = tpu.sem_alloc : memref<!tpu.dma_semaphore, #tpu.memory_space<semaphore_mem>>
        %dma_start3A_308 = arith.constant 1 : i32
        %dma_start3A_309 = arith.constant 0 : i32
        %dma_start3A_310 = tpu.memref_slice %arg5[%dma_start3A_308, %dma_start3A_309] : memref<65x128xf32, #tpu.memory_space<vmem_shared>> -> memref<64x128xf32, #tpu.memory_space<vmem_shared>>
        tpu.enqueue_dma source(%arg2 : memref<64x128xf32, #tpu.memory_space<hbm>>) target(%dma_start3A_310 : memref<64x128xf32, #tpu.memory_space<vmem_shared>>) target_semaphore(%run_scoped3A : memref<!tpu.dma_semaphore, #tpu.memory_space<semaphore_mem>>)
        %dma_wait3A_311 = arith.constant 1 : i32
        %dma_wait3A_312 = arith.constant 0 : i32
        %dma_wait3A_313 = tpu.memref_slice %arg5[%dma_wait3A_311, %dma_wait3A_312] : memref<65x128xf32, #tpu.memory_space<vmem_shared>> -> memref<64x128xf32, #tpu.memory_space<vmem_shared>>
        tpu.wait_dma2 semaphore(%run_scoped3A : memref<!tpu.dma_semaphore, #tpu.memory_space<semaphore_mem>>) src(%arg2 : memref<64x128xf32, #tpu.memory_space<hbm>>) dst(%dma_wait3A_313 : memref<64x128xf32, #tpu.memory_space<vmem_shared>>)
        tpu.yield
      }) : () -> ()
    } else {
    }
    %jit3A = arith.constant 1 : i32
    %jit3A_4 = arith.constant 0 : i32
    %select_n3A = arith.select %lt3A_1, %jit3A, %jit3A_4 : i32
    %add3A_5 = arith.constant 39 : i32
    %add3A_6 = arith.addi %add3A_5, %select_n3A : i32
    %while3A = arith.constant 0 : i32
    %while3A_7 = arith.constant 0 : i32
    %while3A_8 = arith.subi %add3A_6, %while3A_7 : i32
    %while3A_9 = arith.addi %while3A_7, %while3A_8 : i32
    %while3A_10 = arith.constant 1 : i32
    %while3A_11 = arith.divsi %while3A_8, %while3A_10 : i32
    %while3A_12 = arith.muli %while3A_11, %while3A_10 : i32
    %while3A_13 = arith.addi %while3A_7, %while3A_12 : i32
    %while3A_14 = arith.constant 1 : i32
    scf.for %while3A_308 = %while3A_7 to %while3A_13 step %while3A_14  : i32 {
      %mul3A_309 = arith.constant 32 : i32
      %mul3A_310 = arith.muli %while3A_308, %mul3A_309 : i32
      %add3A_311 = arith.addi %add3A, %mul3A_310 : i32
      %mul3A_312 = arith.constant 80 : i32
      %mul3A_313 = arith.muli %add3A_311, %mul3A_312 : i32
      %dma_start3A_314 = arith.constant 0 : i32
      %dma_start3A_315 = tpu.memref_slice %arg6[%while3A_308, %dma_start3A_314] : memref<40x80xi32, #tpu.memory_space<vmem>> -> memref<1x80xi32, #tpu.memory_space<vmem>>
      %dma_start3A_316 = tpu.memref_squeeze %dma_start3A_315 : memref<1x80xi32, #tpu.memory_space<vmem>> -> memref<80xi32, #tpu.memory_space<vmem>>
      %dma_start3A_317 = tpu.memref_slice %arg3[%mul3A_313] : memref<100000xi32, #tpu.memory_space<hbm>> -> memref<80xi32, #tpu.memory_space<hbm>>
      %dma_start3A_318 = arith.constant 0 : i32
      %dma_start3A_319 = tpu.memref_slice %arg6[%while3A_308, %dma_start3A_318] : memref<40x80xi32, #tpu.memory_space<vmem>> -> memref<1x80xi32, #tpu.memory_space<vmem>>
      %dma_start3A_320 = tpu.memref_squeeze %dma_start3A_319 : memref<1x80xi32, #tpu.memory_space<vmem>> -> memref<80xi32, #tpu.memory_space<vmem>>
      %dma_start3A_321 = tpu.memref_slice %arg3[%mul3A_313] : memref<100000xi32, #tpu.memory_space<hbm>> -> memref<80xi32, #tpu.memory_space<hbm>>
      tpu.enqueue_dma source(%dma_start3A_321 : memref<80xi32, #tpu.memory_space<hbm>>) target(%dma_start3A_320 : memref<80xi32, #tpu.memory_space<vmem>>) target_semaphore(%arg25 : memref<!tpu.dma_semaphore, #tpu.memory_space<semaphore_mem>>)
    }
    %while3A_15 = arith.constant 1 : i32
    scf.for %while3A_308 = %while3A_13 to %while3A_9 step %while3A_15  : i32 {
      %mul3A_309 = arith.constant 32 : i32
      %mul3A_310 = arith.muli %while3A_308, %mul3A_309 : i32
      %add3A_311 = arith.addi %add3A, %mul3A_310 : i32
      %mul3A_312 = arith.constant 80 : i32
      %mul3A_313 = arith.muli %add3A_311, %mul3A_312 : i32
      %dma_start3A_314 = arith.constant 0 : i32
      %dma_start3A_315 = tpu.memref_slice %arg6[%while3A_308, %dma_start3A_314] : memref<40x80xi32, #tpu.memory_space<vmem>> -> memref<1x80xi32, #tpu.memory_space<vmem>>
      %dma_start3A_316 = tpu.memref_squeeze %dma_start3A_315 : memref<1x80xi32, #tpu.memory_space<vmem>> -> memref<80xi32, #tpu.memory_space<vmem>>
      %dma_start3A_317 = tpu.memref_slice %arg3[%mul3A_313] : memref<100000xi32, #tpu.memory_space<hbm>> -> memref<80xi32, #tpu.memory_space<hbm>>
      %dma_start3A_318 = arith.constant 0 : i32
      %dma_start3A_319 = tpu.memref_slice %arg6[%while3A_308, %dma_start3A_318] : memref<40x80xi32, #tpu.memory_space<vmem>> -> memref<1x80xi32, #tpu.memory_space<vmem>>
      %dma_start3A_320 = tpu.memref_squeeze %dma_start3A_319 : memref<1x80xi32, #tpu.memory_space<vmem>> -> memref<80xi32, #tpu.memory_space<vmem>>
      %dma_start3A_321 = tpu.memref_slice %arg3[%mul3A_313] : memref<100000xi32, #tpu.memory_space<hbm>> -> memref<80xi32, #tpu.memory_space<hbm>>
      tpu.enqueue_dma source(%dma_start3A_321 : memref<80xi32, #tpu.memory_space<hbm>>) target(%dma_start3A_320 : memref<80xi32, #tpu.memory_space<vmem>>) target_semaphore(%arg25 : memref<!tpu.dma_semaphore, #tpu.memory_space<semaphore_mem>>)
    }
    %barrier3A = arith.constant 0 : index
    tpu.barrier barrier_id(%barrier3A)
    %while3A_16 = arith.constant 0 : i32
    %while3A_17 = arith.constant 0 : i32
    %while3A_18 = arith.subi %add3A_6, %while3A_17 : i32
    %while3A_19 = arith.addi %while3A_17, %while3A_18 : i32
    %while3A_20 = arith.constant 1 : i32
    %while3A_21 = arith.divsi %while3A_18, %while3A_20 : i32
    %while3A_22 = arith.muli %while3A_21, %while3A_20 : i32
    %while3A_23 = arith.addi %while3A_17, %while3A_22 : i32
    %while3A_24 = arith.constant 1 : i32
    scf.for %while3A_308 = %while3A_17 to %while3A_23 step %while3A_24  : i32 {
      %mul3A_309 = arith.constant 32 : i32
      %mul3A_310 = arith.muli %while3A_308, %mul3A_309 : i32
      %add3A_311 = arith.addi %add3A, %mul3A_310 : i32
      %mul3A_312 = arith.constant 80 : i32
      %mul3A_313 = arith.muli %add3A_311, %mul3A_312 : i32
      %dma_wait3A_314 = arith.constant 0 : i32
      %dma_wait3A_315 = tpu.memref_slice %arg6[%while3A_308, %dma_wait3A_314] : memref<40x80xi32, #tpu.memory_space<vmem>> -> memref<1x80xi32, #tpu.memory_space<vmem>>
      %dma_wait3A_316 = tpu.memref_squeeze %dma_wait3A_315 : memref<1x80xi32, #tpu.memory_space<vmem>> -> memref<80xi32, #tpu.memory_space<vmem>>
      %dma_wait3A_317 = tpu.memref_slice %arg3[%mul3A_313] : memref<100000xi32, #tpu.memory_space<hbm>> -> memref<80xi32, #tpu.memory_space<hbm>>
      %dma_wait3A_318 = arith.constant 0 : i32
      %dma_wait3A_319 = tpu.memref_slice %arg6[%while3A_308, %dma_wait3A_318] : memref<40x80xi32, #tpu.memory_space<vmem>> -> memref<1x80xi32, #tpu.memory_space<vmem>>
      %dma_wait3A_320 = tpu.memref_squeeze %dma_wait3A_319 : memref<1x80xi32, #tpu.memory_space<vmem>> -> memref<80xi32, #tpu.memory_space<vmem>>
      %dma_wait3A_321 = tpu.memref_slice %arg3[%mul3A_313] : memref<100000xi32, #tpu.memory_space<hbm>> -> memref<80xi32, #tpu.memory_space<hbm>>
      tpu.wait_dma2 semaphore(%arg25 : memref<!tpu.dma_semaphore, #tpu.memory_space<semaphore_mem>>) src(%dma_wait3A_321 : memref<80xi32, #tpu.memory_space<hbm>>) dst(%dma_wait3A_320 : memref<80xi32, #tpu.memory_space<vmem>>)
    }
    %while3A_25 = arith.constant 1 : i32
    scf.for %while3A_308 = %while3A_23 to %while3A_19 step %while3A_25  : i32 {
      %mul3A_309 = arith.constant 32 : i32
      %mul3A_310 = arith.muli %while3A_308, %mul3A_309 : i32
      %add3A_311 = arith.addi %add3A, %mul3A_310 : i32
      %mul3A_312 = arith.constant 80 : i32
      %mul3A_313 = arith.muli %add3A_311, %mul3A_312 : i32
      %dma_wait3A_314 = arith.constant 0 : i32
      %dma_wait3A_315 = tpu.memref_slice %arg6[%while3A_308, %dma_wait3A_314] : memref<40x80xi32, #tpu.memory_space<vmem>> -> memref<1x80xi32, #tpu.memory_space<vmem>>
      %dma_wait3A_316 = tpu.memref_squeeze %dma_wait3A_315 : memref<1x80xi32, #tpu.memory_space<vmem>> -> memref<80xi32, #tpu.memory_space<vmem>>
      %dma_wait3A_317 = tpu.memref_slice %arg3[%mul3A_313] : memref<100000xi32, #tpu.memory_space<hbm>> -> memref<80xi32, #tpu.memory_space<hbm>>
      %dma_wait3A_318 = arith.constant 0 : i32
      %dma_wait3A_319 = tpu.memref_slice %arg6[%while3A_308, %dma_wait3A_318] : memref<40x80xi32, #tpu.memory_space<vmem>> -> memref<1x80xi32, #tpu.memory_space<vmem>>
      %dma_wait3A_320 = tpu.memref_squeeze %dma_wait3A_319 : memref<1x80xi32, #tpu.memory_space<vmem>> -> memref<80xi32, #tpu.memory_space<vmem>>
      %dma_wait3A_321 = tpu.memref_slice %arg3[%mul3A_313] : memref<100000xi32, #tpu.memory_space<hbm>> -> memref<80xi32, #tpu.memory_space<hbm>>
      tpu.wait_dma2 semaphore(%arg25 : memref<!tpu.dma_semaphore, #tpu.memory_space<semaphore_mem>>) src(%dma_wait3A_321 : memref<80xi32, #tpu.memory_space<hbm>>) dst(%dma_wait3A_320 : memref<80xi32, #tpu.memory_space<vmem>>)
    }
    %dma_start3A = arith.constant 0 : i32
    %dma_start3A_26 = arith.constant 0 : i32
    %dma_start3A_27 = tpu.memref_slice %arg6[%dma_start3A, %dma_start3A_26] : memref<40x80xi32, #tpu.memory_space<vmem>> -> memref<1x80xi32, #tpu.memory_space<vmem>>
    %dma_start3A_28 = tpu.memref_squeeze %dma_start3A_27 : memref<1x80xi32, #tpu.memory_space<vmem>> -> memref<80xi32, #tpu.memory_space<vmem>>
    %dma_start3A_29 = arith.constant 0 : i32
    %dma_start3A_30 = arith.constant 0 : i32
    %dma_start3A_31 = tpu.memref_slice %arg5[%dma_start3A_29, %dma_start3A_30] : memref<65x128xf32, #tpu.memory_space<vmem_shared>> -> memref<65x128xf32, #tpu.memory_space<vmem_shared>>
    tpu.enqueue_indirect_dma source(%dma_start3A_31 : memref<65x128xf32, #tpu.memory_space<vmem_shared>>) target(%arg7 : memref<80x128xf32, #tpu.memory_space<vmem>>) offsets(%dma_start3A_28 : memref<80xi32, #tpu.memory_space<vmem>>) semaphore(%arg13 : memref<!tpu.dma_semaphore, #tpu.memory_space<semaphore_mem>>)
    %dma_start3A_32 = arith.constant 1 : i32
    %dma_start3A_33 = arith.constant 0 : i32
    %dma_start3A_34 = tpu.memref_slice %arg6[%dma_start3A_32, %dma_start3A_33] : memref<40x80xi32, #tpu.memory_space<vmem>> -> memref<1x80xi32, #tpu.memory_space<vmem>>
    %dma_start3A_35 = tpu.memref_squeeze %dma_start3A_34 : memref<1x80xi32, #tpu.memory_space<vmem>> -> memref<80xi32, #tpu.memory_space<vmem>>
    %dma_start3A_36 = arith.constant 0 : i32
    %dma_start3A_37 = arith.constant 0 : i32
    %dma_start3A_38 = tpu.memref_slice %arg5[%dma_start3A_36, %dma_start3A_37] : memref<65x128xf32, #tpu.memory_space<vmem_shared>> -> memref<65x128xf32, #tpu.memory_space<vmem_shared>>
    tpu.enqueue_indirect_dma source(%dma_start3A_38 : memref<65x128xf32, #tpu.memory_space<vmem_shared>>) target(%arg8 : memref<80x128xf32, #tpu.memory_space<vmem>>) offsets(%dma_start3A_35 : memref<80xi32, #tpu.memory_space<vmem>>) semaphore(%arg14 : memref<!tpu.dma_semaphore, #tpu.memory_space<semaphore_mem>>)
    %dma_start3A_39 = arith.constant 2 : i32
    %dma_start3A_40 = arith.constant 0 : i32
    %dma_start3A_41 = tpu.memref_slice %arg6[%dma_start3A_39, %dma_start3A_40] : memref<40x80xi32, #tpu.memory_space<vmem>> -> memref<1x80xi32, #tpu.memory_space<vmem>>
    %dma_start3A_42 = tpu.memref_squeeze %dma_start3A_41 : memref<1x80xi32, #tpu.memory_space<vmem>> -> memref<80xi32, #tpu.memory_space<vmem>>
    %dma_start3A_43 = arith.constant 0 : i32
    %dma_start3A_44 = arith.constant 0 : i32
    %dma_start3A_45 = tpu.memref_slice %arg5[%dma_start3A_43, %dma_start3A_44] : memref<65x128xf32, #tpu.memory_space<vmem_shared>> -> memref<65x128xf32, #tpu.memory_space<vmem_shared>>
    tpu.enqueue_indirect_dma source(%dma_start3A_45 : memref<65x128xf32, #tpu.memory_space<vmem_shared>>) target(%arg9 : memref<80x128xf32, #tpu.memory_space<vmem>>) offsets(%dma_start3A_42 : memref<80xi32, #tpu.memory_space<vmem>>) semaphore(%arg15 : memref<!tpu.dma_semaphore, #tpu.memory_space<semaphore_mem>>)
    %dma_wait3A = arith.constant 0 : i32
    %dma_wait3A_46 = arith.constant 0 : i32
    %dma_wait3A_47 = tpu.memref_slice %arg6[%dma_wait3A, %dma_wait3A_46] : memref<40x80xi32, #tpu.memory_space<vmem>> -> memref<1x80xi32, #tpu.memory_space<vmem>>
    %dma_wait3A_48 = tpu.memref_squeeze %dma_wait3A_47 : memref<1x80xi32, #tpu.memory_space<vmem>> -> memref<80xi32, #tpu.memory_space<vmem>>
    %dma_wait3A_49 = arith.constant 0 : i32
    %dma_wait3A_50 = arith.constant 0 : i32
    %dma_wait3A_51 = tpu.memref_slice %arg5[%dma_wait3A_49, %dma_wait3A_50] : memref<65x128xf32, #tpu.memory_space<vmem_shared>> -> memref<65x128xf32, #tpu.memory_space<vmem_shared>>
    tpu.wait_indirect_dma semaphore(%arg13 : memref<!tpu.dma_semaphore, #tpu.memory_space<semaphore_mem>>) src(%dma_wait3A_51 : memref<65x128xf32, #tpu.memory_space<vmem_shared>>) dst(%arg7 : memref<80x128xf32, #tpu.memory_space<vmem>>)
    %add3A_52 = arith.constant 0 : i32
    %add3A_53 = arith.addi %add3A, %add3A_52 : i32
    %mul3A_54 = arith.constant 80 : i32
    %mul3A_55 = arith.muli %add3A_53, %mul3A_54 : i32
    %dma_start3A_56 = arith.constant 0 : i32
    %dma_start3A_57 = tpu.memref_slice %arg4[%mul3A_55, %dma_start3A_56] : memref<100000x128xf32, #tpu.memory_space<hbm>> -> memref<80x128xf32, #tpu.memory_space<hbm>>
    %dma_start3A_58 = arith.constant 0 : i32
    %dma_start3A_59 = tpu.memref_slice %arg4[%mul3A_55, %dma_start3A_58] : memref<100000x128xf32, #tpu.memory_space<hbm>> -> memref<80x128xf32, #tpu.memory_space<hbm>>
    tpu.enqueue_dma source(%arg7 : memref<80x128xf32, #tpu.memory_space<vmem>>) target(%dma_start3A_59 : memref<80x128xf32, #tpu.memory_space<hbm>>) target_semaphore(%arg19 : memref<!tpu.dma_semaphore, #tpu.memory_space<semaphore_mem>>)
    %dma_start3A_60 = arith.constant 3 : i32
    %dma_start3A_61 = arith.constant 0 : i32
    %dma_start3A_62 = tpu.memref_slice %arg6[%dma_start3A_60, %dma_start3A_61] : memref<40x80xi32, #tpu.memory_space<vmem>> -> memref<1x80xi32, #tpu.memory_space<vmem>>
    %dma_start3A_63 = tpu.memref_squeeze %dma_start3A_62 : memref<1x80xi32, #tpu.memory_space<vmem>> -> memref<80xi32, #tpu.memory_space<vmem>>
    %dma_start3A_64 = arith.constant 0 : i32
    %dma_start3A_65 = arith.constant 0 : i32
    %dma_start3A_66 = tpu.memref_slice %arg5[%dma_start3A_64, %dma_start3A_65] : memref<65x128xf32, #tpu.memory_space<vmem_shared>> -> memref<65x128xf32, #tpu.memory_space<vmem_shared>>
    tpu.enqueue_indirect_dma source(%dma_start3A_66 : memref<65x128xf32, #tpu.memory_space<vmem_shared>>) target(%arg10 : memref<80x128xf32, #tpu.memory_space<vmem>>) offsets(%dma_start3A_63 : memref<80xi32, #tpu.memory_space<vmem>>) semaphore(%arg16 : memref<!tpu.dma_semaphore, #tpu.memory_space<semaphore_mem>>)
    %dma_wait3A_67 = arith.constant 1 : i32
    %dma_wait3A_68 = arith.constant 0 : i32
    %dma_wait3A_69 = tpu.memref_slice %arg6[%dma_wait3A_67, %dma_wait3A_68] : memref<40x80xi32, #tpu.memory_space<vmem>> -> memref<1x80xi32, #tpu.memory_space<vmem>>
    %dma_wait3A_70 = tpu.memref_squeeze %dma_wait3A_69 : memref<1x80xi32, #tpu.memory_space<vmem>> -> memref<80xi32, #tpu.memory_space<vmem>>
    %dma_wait3A_71 = arith.constant 0 : i32
    %dma_wait3A_72 = arith.constant 0 : i32
    %dma_wait3A_73 = tpu.memref_slice %arg5[%dma_wait3A_71, %dma_wait3A_72] : memref<65x128xf32, #tpu.memory_space<vmem_shared>> -> memref<65x128xf32, #tpu.memory_space<vmem_shared>>
    tpu.wait_indirect_dma semaphore(%arg14 : memref<!tpu.dma_semaphore, #tpu.memory_space<semaphore_mem>>) src(%dma_wait3A_73 : memref<65x128xf32, #tpu.memory_space<vmem_shared>>) dst(%arg8 : memref<80x128xf32, #tpu.memory_space<vmem>>)
    %add3A_74 = arith.constant 32 : i32
    %add3A_75 = arith.addi %add3A, %add3A_74 : i32
    %mul3A_76 = arith.constant 80 : i32
    %mul3A_77 = arith.muli %add3A_75, %mul3A_76 : i32
    %dma_start3A_78 = arith.constant 0 : i32
    %dma_start3A_79 = tpu.memref_slice %arg4[%mul3A_77, %dma_start3A_78] : memref<100000x128xf32, #tpu.memory_space<hbm>> -> memref<80x128xf32, #tpu.memory_space<hbm>>
    %dma_start3A_80 = arith.constant 0 : i32
    %dma_start3A_81 = tpu.memref_slice %arg4[%mul3A_77, %dma_start3A_80] : memref<100000x128xf32, #tpu.memory_space<hbm>> -> memref<80x128xf32, #tpu.memory_space<hbm>>
    tpu.enqueue_dma source(%arg8 : memref<80x128xf32, #tpu.memory_space<vmem>>) target(%dma_start3A_81 : memref<80x128xf32, #tpu.memory_space<hbm>>) target_semaphore(%arg20 : memref<!tpu.dma_semaphore, #tpu.memory_space<semaphore_mem>>)
    %dma_start3A_82 = arith.constant 4 : i32
    %dma_start3A_83 = arith.constant 0 : i32
    %dma_start3A_84 = tpu.memref_slice %arg6[%dma_start3A_82, %dma_start3A_83] : memref<40x80xi32, #tpu.memory_space<vmem>> -> memref<1x80xi32, #tpu.memory_space<vmem>>
    %dma_start3A_85 = tpu.memref_squeeze %dma_start3A_84 : memref<1x80xi32, #tpu.memory_space<vmem>> -> memref<80xi32, #tpu.memory_space<vmem>>
    %dma_start3A_86 = arith.constant 0 : i32
    %dma_start3A_87 = arith.constant 0 : i32
    %dma_start3A_88 = tpu.memref_slice %arg5[%dma_start3A_86, %dma_start3A_87] : memref<65x128xf32, #tpu.memory_space<vmem_shared>> -> memref<65x128xf32, #tpu.memory_space<vmem_shared>>
    tpu.enqueue_indirect_dma source(%dma_start3A_88 : memref<65x128xf32, #tpu.memory_space<vmem_shared>>) target(%arg11 : memref<80x128xf32, #tpu.memory_space<vmem>>) offsets(%dma_start3A_85 : memref<80xi32, #tpu.memory_space<vmem>>) semaphore(%arg17 : memref<!tpu.dma_semaphore, #tpu.memory_space<semaphore_mem>>)
    %dma_wait3A_89 = arith.constant 2 : i32
    %dma_wait3A_90 = arith.constant 0 : i32
    %dma_wait3A_91 = tpu.memref_slice %arg6[%dma_wait3A_89, %dma_wait3A_90] : memref<40x80xi32, #tpu.memory_space<vmem>> -> memref<1x80xi32, #tpu.memory_space<vmem>>
    %dma_wait3A_92 = tpu.memref_squeeze %dma_wait3A_91 : memref<1x80xi32, #tpu.memory_space<vmem>> -> memref<80xi32, #tpu.memory_space<vmem>>
    %dma_wait3A_93 = arith.constant 0 : i32
    %dma_wait3A_94 = arith.constant 0 : i32
    %dma_wait3A_95 = tpu.memref_slice %arg5[%dma_wait3A_93, %dma_wait3A_94] : memref<65x128xf32, #tpu.memory_space<vmem_shared>> -> memref<65x128xf32, #tpu.memory_space<vmem_shared>>
    tpu.wait_indirect_dma semaphore(%arg15 : memref<!tpu.dma_semaphore, #tpu.memory_space<semaphore_mem>>) src(%dma_wait3A_95 : memref<65x128xf32, #tpu.memory_space<vmem_shared>>) dst(%arg9 : memref<80x128xf32, #tpu.memory_space<vmem>>)
    %add3A_96 = arith.constant 64 : i32
    %add3A_97 = arith.addi %add3A, %add3A_96 : i32
    %mul3A_98 = arith.constant 80 : i32
    %mul3A_99 = arith.muli %add3A_97, %mul3A_98 : i32
    %dma_start3A_100 = arith.constant 0 : i32
    %dma_start3A_101 = tpu.memref_slice %arg4[%mul3A_99, %dma_start3A_100] : memref<100000x128xf32, #tpu.memory_space<hbm>> -> memref<80x128xf32, #tpu.memory_space<hbm>>
    %dma_start3A_102 = arith.constant 0 : i32
    %dma_start3A_103 = tpu.memref_slice %arg4[%mul3A_99, %dma_start3A_102] : memref<100000x128xf32, #tpu.memory_space<hbm>> -> memref<80x128xf32, #tpu.memory_space<hbm>>
    tpu.enqueue_dma source(%arg9 : memref<80x128xf32, #tpu.memory_space<vmem>>) target(%dma_start3A_103 : memref<80x128xf32, #tpu.memory_space<hbm>>) target_semaphore(%arg21 : memref<!tpu.dma_semaphore, #tpu.memory_space<semaphore_mem>>)
    %dma_start3A_104 = arith.constant 5 : i32
    %dma_start3A_105 = arith.constant 0 : i32
    %dma_start3A_106 = tpu.memref_slice %arg6[%dma_start3A_104, %dma_start3A_105] : memref<40x80xi32, #tpu.memory_space<vmem>> -> memref<1x80xi32, #tpu.memory_space<vmem>>
    %dma_start3A_107 = tpu.memref_squeeze %dma_start3A_106 : memref<1x80xi32, #tpu.memory_space<vmem>> -> memref<80xi32, #tpu.memory_space<vmem>>
    %dma_start3A_108 = arith.constant 0 : i32
    %dma_start3A_109 = arith.constant 0 : i32
    %dma_start3A_110 = tpu.memref_slice %arg5[%dma_start3A_108, %dma_start3A_109] : memref<65x128xf32, #tpu.memory_space<vmem_shared>> -> memref<65x128xf32, #tpu.memory_space<vmem_shared>>
    tpu.enqueue_indirect_dma source(%dma_start3A_110 : memref<65x128xf32, #tpu.memory_space<vmem_shared>>) target(%arg12 : memref<80x128xf32, #tpu.memory_space<vmem>>) offsets(%dma_start3A_107 : memref<80xi32, #tpu.memory_space<vmem>>) semaphore(%arg18 : memref<!tpu.dma_semaphore, #tpu.memory_space<semaphore_mem>>)
    %dma_wait3A_111 = arith.constant 3 : i32
    %dma_wait3A_112 = arith.constant 0 : i32
    %dma_wait3A_113 = tpu.memref_slice %arg6[%dma_wait3A_111, %dma_wait3A_112] : memref<40x80xi32, #tpu.memory_space<vmem>> -> memref<1x80xi32, #tpu.memory_space<vmem>>
    %dma_wait3A_114 = tpu.memref_squeeze %dma_wait3A_113 : memref<1x80xi32, #tpu.memory_space<vmem>> -> memref<80xi32, #tpu.memory_space<vmem>>
    %dma_wait3A_115 = arith.constant 0 : i32
    %dma_wait3A_116 = arith.constant 0 : i32
    %dma_wait3A_117 = tpu.memref_slice %arg5[%dma_wait3A_115, %dma_wait3A_116] : memref<65x128xf32, #tpu.memory_space<vmem_shared>> -> memref<65x128xf32, #tpu.memory_space<vmem_shared>>
    tpu.wait_indirect_dma semaphore(%arg16 : memref<!tpu.dma_semaphore, #tpu.memory_space<semaphore_mem>>) src(%dma_wait3A_117 : memref<65x128xf32, #tpu.memory_space<vmem_shared>>) dst(%arg10 : memref<80x128xf32, #tpu.memory_space<vmem>>)
    %add3A_118 = arith.constant 96 : i32
    %add3A_119 = arith.addi %add3A, %add3A_118 : i32
    %mul3A_120 = arith.constant 80 : i32
    %mul3A_121 = arith.muli %add3A_119, %mul3A_120 : i32
    %dma_start3A_122 = arith.constant 0 : i32
    %dma_start3A_123 = tpu.memref_slice %arg4[%mul3A_121, %dma_start3A_122] : memref<100000x128xf32, #tpu.memory_space<hbm>> -> memref<80x128xf32, #tpu.memory_space<hbm>>
    %dma_start3A_124 = arith.constant 0 : i32
    %dma_start3A_125 = tpu.memref_slice %arg4[%mul3A_121, %dma_start3A_124] : memref<100000x128xf32, #tpu.memory_space<hbm>> -> memref<80x128xf32, #tpu.memory_space<hbm>>
    tpu.enqueue_dma source(%arg10 : memref<80x128xf32, #tpu.memory_space<vmem>>) target(%dma_start3A_125 : memref<80x128xf32, #tpu.memory_space<hbm>>) target_semaphore(%arg22 : memref<!tpu.dma_semaphore, #tpu.memory_space<semaphore_mem>>)
    %add3A_126 = arith.constant 0 : i32
    %add3A_127 = arith.addi %add3A, %add3A_126 : i32
    %mul3A_128 = arith.constant 80 : i32
    %mul3A_129 = arith.muli %add3A_127, %mul3A_128 : i32
    %dma_wait3A_130 = arith.constant 0 : i32
    %dma_wait3A_131 = tpu.memref_slice %arg4[%mul3A_129, %dma_wait3A_130] : memref<100000x128xf32, #tpu.memory_space<hbm>> -> memref<80x128xf32, #tpu.memory_space<hbm>>
    %dma_wait3A_132 = arith.constant 0 : i32
    %dma_wait3A_133 = tpu.memref_slice %arg4[%mul3A_129, %dma_wait3A_132] : memref<100000x128xf32, #tpu.memory_space<hbm>> -> memref<80x128xf32, #tpu.memory_space<hbm>>
    tpu.wait_dma2 semaphore(%arg19 : memref<!tpu.dma_semaphore, #tpu.memory_space<semaphore_mem>>) src(%arg7 : memref<80x128xf32, #tpu.memory_space<vmem>>) dst(%dma_wait3A_133 : memref<80x128xf32, #tpu.memory_space<hbm>>)
    %dma_start3A_134 = arith.constant 6 : i32
    %dma_start3A_135 = arith.constant 0 : i32
    %dma_start3A_136 = tpu.memref_slice %arg6[%dma_start3A_134, %dma_start3A_135] : memref<40x80xi32, #tpu.memory_space<vmem>> -> memref<1x80xi32, #tpu.memory_space<vmem>>
    %dma_start3A_137 = tpu.memref_squeeze %dma_start3A_136 : memref<1x80xi32, #tpu.memory_space<vmem>> -> memref<80xi32, #tpu.memory_space<vmem>>
    %dma_start3A_138 = arith.constant 0 : i32
    %dma_start3A_139 = arith.constant 0 : i32
    %dma_start3A_140 = tpu.memref_slice %arg5[%dma_start3A_138, %dma_start3A_139] : memref<65x128xf32, #tpu.memory_space<vmem_shared>> -> memref<65x128xf32, #tpu.memory_space<vmem_shared>>
    tpu.enqueue_indirect_dma source(%dma_start3A_140 : memref<65x128xf32, #tpu.memory_space<vmem_shared>>) target(%arg7 : memref<80x128xf32, #tpu.memory_space<vmem>>) offsets(%dma_start3A_137 : memref<80xi32, #tpu.memory_space<vmem>>) semaphore(%arg13 : memref<!tpu.dma_semaphore, #tpu.memory_space<semaphore_mem>>)
    %dma_wait3A_141 = arith.constant 4 : i32
    %dma_wait3A_142 = arith.constant 0 : i32
    %dma_wait3A_143 = tpu.memref_slice %arg6[%dma_wait3A_141, %dma_wait3A_142] : memref<40x80xi32, #tpu.memory_space<vmem>> -> memref<1x80xi32, #tpu.memory_space<vmem>>
    %dma_wait3A_144 = tpu.memref_squeeze %dma_wait3A_143 : memref<1x80xi32, #tpu.memory_space<vmem>> -> memref<80xi32, #tpu.memory_space<vmem>>
    %dma_wait3A_145 = arith.constant 0 : i32
    %dma_wait3A_146 = arith.constant 0 : i32
    %dma_wait3A_147 = tpu.memref_slice %arg5[%dma_wait3A_145, %dma_wait3A_146] : memref<65x128xf32, #tpu.memory_space<vmem_shared>> -> memref<65x128xf32, #tpu.memory_space<vmem_shared>>
    tpu.wait_indirect_dma semaphore(%arg17 : memref<!tpu.dma_semaphore, #tpu.memory_space<semaphore_mem>>) src(%dma_wait3A_147 : memref<65x128xf32, #tpu.memory_space<vmem_shared>>) dst(%arg11 : memref<80x128xf32, #tpu.memory_space<vmem>>)
    %add3A_148 = arith.constant 128 : i32
    %add3A_149 = arith.addi %add3A, %add3A_148 : i32
    %mul3A_150 = arith.constant 80 : i32
    %mul3A_151 = arith.muli %add3A_149, %mul3A_150 : i32
    %dma_start3A_152 = arith.constant 0 : i32
    %dma_start3A_153 = tpu.memref_slice %arg4[%mul3A_151, %dma_start3A_152] : memref<100000x128xf32, #tpu.memory_space<hbm>> -> memref<80x128xf32, #tpu.memory_space<hbm>>
    %dma_start3A_154 = arith.constant 0 : i32
    %dma_start3A_155 = tpu.memref_slice %arg4[%mul3A_151, %dma_start3A_154] : memref<100000x128xf32, #tpu.memory_space<hbm>> -> memref<80x128xf32, #tpu.memory_space<hbm>>
    tpu.enqueue_dma source(%arg11 : memref<80x128xf32, #tpu.memory_space<vmem>>) target(%dma_start3A_155 : memref<80x128xf32, #tpu.memory_space<hbm>>) target_semaphore(%arg23 : memref<!tpu.dma_semaphore, #tpu.memory_space<semaphore_mem>>)
    %add3A_156 = arith.constant 32 : i32
    %add3A_157 = arith.addi %add3A, %add3A_156 : i32
    %mul3A_158 = arith.constant 80 : i32
    %mul3A_159 = arith.muli %add3A_157, %mul3A_158 : i32
    %dma_wait3A_160 = arith.constant 0 : i32
    %dma_wait3A_161 = tpu.memref_slice %arg4[%mul3A_159, %dma_wait3A_160] : memref<100000x128xf32, #tpu.memory_space<hbm>> -> memref<80x128xf32, #tpu.memory_space<hbm>>
    %dma_wait3A_162 = arith.constant 0 : i32
    %dma_wait3A_163 = tpu.memref_slice %arg4[%mul3A_159, %dma_wait3A_162] : memref<100000x128xf32, #tpu.memory_space<hbm>> -> memref<80x128xf32, #tpu.memory_space<hbm>>
    tpu.wait_dma2 semaphore(%arg20 : memref<!tpu.dma_semaphore, #tpu.memory_space<semaphore_mem>>) src(%arg8 : memref<80x128xf32, #tpu.memory_space<vmem>>) dst(%dma_wait3A_163 : memref<80x128xf32, #tpu.memory_space<hbm>>)
    %dma_start3A_164 = arith.constant 7 : i32
    %dma_start3A_165 = arith.constant 0 : i32
    %dma_start3A_166 = tpu.memref_slice %arg6[%dma_start3A_164, %dma_start3A_165] : memref<40x80xi32, #tpu.memory_space<vmem>> -> memref<1x80xi32, #tpu.memory_space<vmem>>
    %dma_start3A_167 = tpu.memref_squeeze %dma_start3A_166 : memref<1x80xi32, #tpu.memory_space<vmem>> -> memref<80xi32, #tpu.memory_space<vmem>>
    %dma_start3A_168 = arith.constant 0 : i32
    %dma_start3A_169 = arith.constant 0 : i32
    %dma_start3A_170 = tpu.memref_slice %arg5[%dma_start3A_168, %dma_start3A_169] : memref<65x128xf32, #tpu.memory_space<vmem_shared>> -> memref<65x128xf32, #tpu.memory_space<vmem_shared>>
    tpu.enqueue_indirect_dma source(%dma_start3A_170 : memref<65x128xf32, #tpu.memory_space<vmem_shared>>) target(%arg8 : memref<80x128xf32, #tpu.memory_space<vmem>>) offsets(%dma_start3A_167 : memref<80xi32, #tpu.memory_space<vmem>>) semaphore(%arg14 : memref<!tpu.dma_semaphore, #tpu.memory_space<semaphore_mem>>)
    %dma_wait3A_171 = arith.constant 5 : i32
    %dma_wait3A_172 = arith.constant 0 : i32
    %dma_wait3A_173 = tpu.memref_slice %arg6[%dma_wait3A_171, %dma_wait3A_172] : memref<40x80xi32, #tpu.memory_space<vmem>> -> memref<1x80xi32, #tpu.memory_space<vmem>>
    %dma_wait3A_174 = tpu.memref_squeeze %dma_wait3A_173 : memref<1x80xi32, #tpu.memory_space<vmem>> -> memref<80xi32, #tpu.memory_space<vmem>>
    %dma_wait3A_175 = arith.constant 0 : i32
    %dma_wait3A_176 = arith.constant 0 : i32
    %dma_wait3A_177 = tpu.memref_slice %arg5[%dma_wait3A_175, %dma_wait3A_176] : memref<65x128xf32, #tpu.memory_space<vmem_shared>> -> memref<65x128xf32, #tpu.memory_space<vmem_shared>>
    tpu.wait_indirect_dma semaphore(%arg18 : memref<!tpu.dma_semaphore, #tpu.memory_space<semaphore_mem>>) src(%dma_wait3A_177 : memref<65x128xf32, #tpu.memory_space<vmem_shared>>) dst(%arg12 : memref<80x128xf32, #tpu.memory_space<vmem>>)
    %add3A_178 = arith.constant 160 : i32
    %add3A_179 = arith.addi %add3A, %add3A_178 : i32
    %mul3A_180 = arith.constant 80 : i32
    %mul3A_181 = arith.muli %add3A_179, %mul3A_180 : i32
    %dma_start3A_182 = arith.constant 0 : i32
    %dma_start3A_183 = tpu.memref_slice %arg4[%mul3A_181, %dma_start3A_182] : memref<100000x128xf32, #tpu.memory_space<hbm>> -> memref<80x128xf32, #tpu.memory_space<hbm>>
    %dma_start3A_184 = arith.constant 0 : i32
    %dma_start3A_185 = tpu.memref_slice %arg4[%mul3A_181, %dma_start3A_184] : memref<100000x128xf32, #tpu.memory_space<hbm>> -> memref<80x128xf32, #tpu.memory_space<hbm>>
    tpu.enqueue_dma source(%arg12 : memref<80x128xf32, #tpu.memory_space<vmem>>) target(%dma_start3A_185 : memref<80x128xf32, #tpu.memory_space<hbm>>) target_semaphore(%arg24 : memref<!tpu.dma_semaphore, #tpu.memory_space<semaphore_mem>>)
    %add3A_186 = arith.constant 64 : i32
    %add3A_187 = arith.addi %add3A, %add3A_186 : i32
    %mul3A_188 = arith.constant 80 : i32
    %mul3A_189 = arith.muli %add3A_187, %mul3A_188 : i32
    %dma_wait3A_190 = arith.constant 0 : i32
    %dma_wait3A_191 = tpu.memref_slice %arg4[%mul3A_189, %dma_wait3A_190] : memref<100000x128xf32, #tpu.memory_space<hbm>> -> memref<80x128xf32, #tpu.memory_space<hbm>>
    %dma_wait3A_192 = arith.constant 0 : i32
    %dma_wait3A_193 = tpu.memref_slice %arg4[%mul3A_189, %dma_wait3A_192] : memref<100000x128xf32, #tpu.memory_space<hbm>> -> memref<80x128xf32, #tpu.memory_space<hbm>>
    tpu.wait_dma2 semaphore(%arg21 : memref<!tpu.dma_semaphore, #tpu.memory_space<semaphore_mem>>) src(%arg9 : memref<80x128xf32, #tpu.memory_space<vmem>>) dst(%dma_wait3A_193 : memref<80x128xf32, #tpu.memory_space<hbm>>)
    %dma_start3A_194 = arith.constant 8 : i32
    %dma_start3A_195 = arith.constant 0 : i32
    %dma_start3A_196 = tpu.memref_slice %arg6[%dma_start3A_194, %dma_start3A_195] : memref<40x80xi32, #tpu.memory_space<vmem>> -> memref<1x80xi32, #tpu.memory_space<vmem>>
    %dma_start3A_197 = tpu.memref_squeeze %dma_start3A_196 : memref<1x80xi32, #tpu.memory_space<vmem>> -> memref<80xi32, #tpu.memory_space<vmem>>
    %dma_start3A_198 = arith.constant 0 : i32
    %dma_start3A_199 = arith.constant 0 : i32
    %dma_start3A_200 = tpu.memref_slice %arg5[%dma_start3A_198, %dma_start3A_199] : memref<65x128xf32, #tpu.memory_space<vmem_shared>> -> memref<65x128xf32, #tpu.memory_space<vmem_shared>>
    tpu.enqueue_indirect_dma source(%dma_start3A_200 : memref<65x128xf32, #tpu.memory_space<vmem_shared>>) target(%arg9 : memref<80x128xf32, #tpu.memory_space<vmem>>) offsets(%dma_start3A_197 : memref<80xi32, #tpu.memory_space<vmem>>) semaphore(%arg15 : memref<!tpu.dma_semaphore, #tpu.memory_space<semaphore_mem>>)
    %scan3A = arith.constant 0 : i32
    %scan3A_201 = arith.constant 1 : i32
    %scan3A_202 = arith.constant 5 : i32
    %scan3A_203 = arith.addi %scan3A_201, %scan3A_202 : i32
    %scan3A_204 = arith.constant 1 : i32
    scf.for %scan3A_308 = %scan3A_201 to %scan3A_203 step %scan3A_204  : i32 {
      %mul3A_309 = arith.constant 6 : i32
      %mul3A_310 = arith.muli %scan3A_308, %mul3A_309 : i32
      %add3A_311 = arith.constant 0 : i32
      %add3A_312 = arith.addi %mul3A_310, %add3A_311 : i32
      %dma_wait3A_313 = arith.constant 0 : i32
      %dma_wait3A_314 = tpu.memref_slice %arg6[%add3A_312, %dma_wait3A_313] : memref<40x80xi32, #tpu.memory_space<vmem>> -> memref<1x80xi32, #tpu.memory_space<vmem>>
      %dma_wait3A_315 = tpu.memref_squeeze %dma_wait3A_314 : memref<1x80xi32, #tpu.memory_space<vmem>> -> memref<80xi32, #tpu.memory_space<vmem>>
      %dma_wait3A_316 = arith.constant 0 : i32
      %dma_wait3A_317 = arith.constant 0 : i32
      %dma_wait3A_318 = tpu.memref_slice %arg5[%dma_wait3A_316, %dma_wait3A_317] : memref<65x128xf32, #tpu.memory_space<vmem_shared>> -> memref<65x128xf32, #tpu.memory_space<vmem_shared>>
      tpu.wait_indirect_dma semaphore(%arg13 : memref<!tpu.dma_semaphore, #tpu.memory_space<semaphore_mem>>) src(%dma_wait3A_318 : memref<65x128xf32, #tpu.memory_space<vmem_shared>>) dst(%arg7 : memref<80x128xf32, #tpu.memory_space<vmem>>)
      %mul3A_319 = arith.constant 32 : i32
      %mul3A_320 = arith.muli %add3A_312, %mul3A_319 : i32
      %add3A_321 = arith.addi %add3A, %mul3A_320 : i32
      %mul3A_322 = arith.constant 80 : i32
      %mul3A_323 = arith.muli %add3A_321, %mul3A_322 : i32
      %dma_start3A_324 = arith.constant 0 : i32
      %dma_start3A_325 = tpu.memref_slice %arg4[%mul3A_323, %dma_start3A_324] : memref<100000x128xf32, #tpu.memory_space<hbm>> -> memref<80x128xf32, #tpu.memory_space<hbm>>
      %dma_start3A_326 = arith.constant 0 : i32
      %dma_start3A_327 = tpu.memref_slice %arg4[%mul3A_323, %dma_start3A_326] : memref<100000x128xf32, #tpu.memory_space<hbm>> -> memref<80x128xf32, #tpu.memory_space<hbm>>
      tpu.enqueue_dma source(%arg7 : memref<80x128xf32, #tpu.memory_space<vmem>>) target(%dma_start3A_327 : memref<80x128xf32, #tpu.memory_space<hbm>>) target_semaphore(%arg19 : memref<!tpu.dma_semaphore, #tpu.memory_space<semaphore_mem>>)
      %sub3A = arith.constant 3 : i32
      %sub3A_328 = arith.subi %add3A_312, %sub3A : i32
      %mul3A_329 = arith.constant 32 : i32
      %mul3A_330 = arith.muli %sub3A_328, %mul3A_329 : i32
      %add3A_331 = arith.addi %add3A, %mul3A_330 : i32
      %mul3A_332 = arith.constant 80 : i32
      %mul3A_333 = arith.muli %add3A_331, %mul3A_332 : i32
      %dma_wait3A_334 = arith.constant 0 : i32
      %dma_wait3A_335 = tpu.memref_slice %arg4[%mul3A_333, %dma_wait3A_334] : memref<100000x128xf32, #tpu.memory_space<hbm>> -> memref<80x128xf32, #tpu.memory_space<hbm>>
      %dma_wait3A_336 = arith.constant 0 : i32
      %dma_wait3A_337 = tpu.memref_slice %arg4[%mul3A_333, %dma_wait3A_336] : memref<100000x128xf32, #tpu.memory_space<hbm>> -> memref<80x128xf32, #tpu.memory_space<hbm>>
      tpu.wait_dma2 semaphore(%arg22 : memref<!tpu.dma_semaphore, #tpu.memory_space<semaphore_mem>>) src(%arg10 : memref<80x128xf32, #tpu.memory_space<vmem>>) dst(%dma_wait3A_337 : memref<80x128xf32, #tpu.memory_space<hbm>>)
      %add3A_338 = arith.constant 3 : i32
      %add3A_339 = arith.addi %add3A_312, %add3A_338 : i32
      %dma_start3A_340 = arith.constant 0 : i32
      %dma_start3A_341 = tpu.memref_slice %arg6[%add3A_339, %dma_start3A_340] : memref<40x80xi32, #tpu.memory_space<vmem>> -> memref<1x80xi32, #tpu.memory_space<vmem>>
      %dma_start3A_342 = tpu.memref_squeeze %dma_start3A_341 : memref<1x80xi32, #tpu.memory_space<vmem>> -> memref<80xi32, #tpu.memory_space<vmem>>
      %dma_start3A_343 = arith.constant 0 : i32
      %dma_start3A_344 = arith.constant 0 : i32
      %dma_start3A_345 = tpu.memref_slice %arg5[%dma_start3A_343, %dma_start3A_344] : memref<65x128xf32, #tpu.memory_space<vmem_shared>> -> memref<65x128xf32, #tpu.memory_space<vmem_shared>>
      tpu.enqueue_indirect_dma source(%dma_start3A_345 : memref<65x128xf32, #tpu.memory_space<vmem_shared>>) target(%arg10 : memref<80x128xf32, #tpu.memory_space<vmem>>) offsets(%dma_start3A_342 : memref<80xi32, #tpu.memory_space<vmem>>) semaphore(%arg16 : memref<!tpu.dma_semaphore, #tpu.memory_space<semaphore_mem>>)
      %add3A_346 = arith.constant 1 : i32
      %add3A_347 = arith.addi %mul3A_310, %add3A_346 : i32
      %dma_wait3A_348 = arith.constant 0 : i32
      %dma_wait3A_349 = tpu.memref_slice %arg6[%add3A_347, %dma_wait3A_348] : memref<40x80xi32, #tpu.memory_space<vmem>> -> memref<1x80xi32, #tpu.memory_space<vmem>>
      %dma_wait3A_350 = tpu.memref_squeeze %dma_wait3A_349 : memref<1x80xi32, #tpu.memory_space<vmem>> -> memref<80xi32, #tpu.memory_space<vmem>>
      %dma_wait3A_351 = arith.constant 0 : i32
      %dma_wait3A_352 = arith.constant 0 : i32
      %dma_wait3A_353 = tpu.memref_slice %arg5[%dma_wait3A_351, %dma_wait3A_352] : memref<65x128xf32, #tpu.memory_space<vmem_shared>> -> memref<65x128xf32, #tpu.memory_space<vmem_shared>>
      tpu.wait_indirect_dma semaphore(%arg14 : memref<!tpu.dma_semaphore, #tpu.memory_space<semaphore_mem>>) src(%dma_wait3A_353 : memref<65x128xf32, #tpu.memory_space<vmem_shared>>) dst(%arg8 : memref<80x128xf32, #tpu.memory_space<vmem>>)
      %mul3A_354 = arith.constant 32 : i32
      %mul3A_355 = arith.muli %add3A_347, %mul3A_354 : i32
      %add3A_356 = arith.addi %add3A, %mul3A_355 : i32
      %mul3A_357 = arith.constant 80 : i32
      %mul3A_358 = arith.muli %add3A_356, %mul3A_357 : i32
      %dma_start3A_359 = arith.constant 0 : i32
      %dma_start3A_360 = tpu.memref_slice %arg4[%mul3A_358, %dma_start3A_359] : memref<100000x128xf32, #tpu.memory_space<hbm>> -> memref<80x128xf32, #tpu.memory_space<hbm>>
      %dma_start3A_361 = arith.constant 0 : i32
      %dma_start3A_362 = tpu.memref_slice %arg4[%mul3A_358, %dma_start3A_361] : memref<100000x128xf32, #tpu.memory_space<hbm>> -> memref<80x128xf32, #tpu.memory_space<hbm>>
      tpu.enqueue_dma source(%arg8 : memref<80x128xf32, #tpu.memory_space<vmem>>) target(%dma_start3A_362 : memref<80x128xf32, #tpu.memory_space<hbm>>) target_semaphore(%arg20 : memref<!tpu.dma_semaphore, #tpu.memory_space<semaphore_mem>>)
      %sub3A_363 = arith.constant 3 : i32
      %sub3A_364 = arith.subi %add3A_347, %sub3A_363 : i32
      %mul3A_365 = arith.constant 32 : i32
      %mul3A_366 = arith.muli %sub3A_364, %mul3A_365 : i32
      %add3A_367 = arith.addi %add3A, %mul3A_366 : i32
      %mul3A_368 = arith.constant 80 : i32
      %mul3A_369 = arith.muli %add3A_367, %mul3A_368 : i32
      %dma_wait3A_370 = arith.constant 0 : i32
      %dma_wait3A_371 = tpu.memref_slice %arg4[%mul3A_369, %dma_wait3A_370] : memref<100000x128xf32, #tpu.memory_space<hbm>> -> memref<80x128xf32, #tpu.memory_space<hbm>>
      %dma_wait3A_372 = arith.constant 0 : i32
      %dma_wait3A_373 = tpu.memref_slice %arg4[%mul3A_369, %dma_wait3A_372] : memref<100000x128xf32, #tpu.memory_space<hbm>> -> memref<80x128xf32, #tpu.memory_space<hbm>>
      tpu.wait_dma2 semaphore(%arg23 : memref<!tpu.dma_semaphore, #tpu.memory_space<semaphore_mem>>) src(%arg11 : memref<80x128xf32, #tpu.memory_space<vmem>>) dst(%dma_wait3A_373 : memref<80x128xf32, #tpu.memory_space<hbm>>)
      %add3A_374 = arith.constant 3 : i32
      %add3A_375 = arith.addi %add3A_347, %add3A_374 : i32
      %dma_start3A_376 = arith.constant 0 : i32
      %dma_start3A_377 = tpu.memref_slice %arg6[%add3A_375, %dma_start3A_376] : memref<40x80xi32, #tpu.memory_space<vmem>> -> memref<1x80xi32, #tpu.memory_space<vmem>>
      %dma_start3A_378 = tpu.memref_squeeze %dma_start3A_377 : memref<1x80xi32, #tpu.memory_space<vmem>> -> memref<80xi32, #tpu.memory_space<vmem>>
      %dma_start3A_379 = arith.constant 0 : i32
      %dma_start3A_380 = arith.constant 0 : i32
      %dma_start3A_381 = tpu.memref_slice %arg5[%dma_start3A_379, %dma_start3A_380] : memref<65x128xf32, #tpu.memory_space<vmem_shared>> -> memref<65x128xf32, #tpu.memory_space<vmem_shared>>
      tpu.enqueue_indirect_dma source(%dma_start3A_381 : memref<65x128xf32, #tpu.memory_space<vmem_shared>>) target(%arg11 : memref<80x128xf32, #tpu.memory_space<vmem>>) offsets(%dma_start3A_378 : memref<80xi32, #tpu.memory_space<vmem>>) semaphore(%arg17 : memref<!tpu.dma_semaphore, #tpu.memory_space<semaphore_mem>>)
      %add3A_382 = arith.constant 2 : i32
      %add3A_383 = arith.addi %mul3A_310, %add3A_382 : i32
      %dma_wait3A_384 = arith.constant 0 : i32
      %dma_wait3A_385 = tpu.memref_slice %arg6[%add3A_383, %dma_wait3A_384] : memref<40x80xi32, #tpu.memory_space<vmem>> -> memref<1x80xi32, #tpu.memory_space<vmem>>
      %dma_wait3A_386 = tpu.memref_squeeze %dma_wait3A_385 : memref<1x80xi32, #tpu.memory_space<vmem>> -> memref<80xi32, #tpu.memory_space<vmem>>
      %dma_wait3A_387 = arith.constant 0 : i32
      %dma_wait3A_388 = arith.constant 0 : i32
      %dma_wait3A_389 = tpu.memref_slice %arg5[%dma_wait3A_387, %dma_wait3A_388] : memref<65x128xf32, #tpu.memory_space<vmem_shared>> -> memref<65x128xf32, #tpu.memory_space<vmem_shared>>
      tpu.wait_indirect_dma semaphore(%arg15 : memref<!tpu.dma_semaphore, #tpu.memory_space<semaphore_mem>>) src(%dma_wait3A_389 : memref<65x128xf32, #tpu.memory_space<vmem_shared>>) dst(%arg9 : memref<80x128xf32, #tpu.memory_space<vmem>>)
      %mul3A_390 = arith.constant 32 : i32
      %mul3A_391 = arith.muli %add3A_383, %mul3A_390 : i32
      %add3A_392 = arith.addi %add3A, %mul3A_391 : i32
      %mul3A_393 = arith.constant 80 : i32
      %mul3A_394 = arith.muli %add3A_392, %mul3A_393 : i32
      %dma_start3A_395 = arith.constant 0 : i32
      %dma_start3A_396 = tpu.memref_slice %arg4[%mul3A_394, %dma_start3A_395] : memref<100000x128xf32, #tpu.memory_space<hbm>> -> memref<80x128xf32, #tpu.memory_space<hbm>>
      %dma_start3A_397 = arith.constant 0 : i32
      %dma_start3A_398 = tpu.memref_slice %arg4[%mul3A_394, %dma_start3A_397] : memref<100000x128xf32, #tpu.memory_space<hbm>> -> memref<80x128xf32, #tpu.memory_space<hbm>>
      tpu.enqueue_dma source(%arg9 : memref<80x128xf32, #tpu.memory_space<vmem>>) target(%dma_start3A_398 : memref<80x128xf32, #tpu.memory_space<hbm>>) target_semaphore(%arg21 : memref<!tpu.dma_semaphore, #tpu.memory_space<semaphore_mem>>)
      %sub3A_399 = arith.constant 3 : i32
      %sub3A_400 = arith.subi %add3A_383, %sub3A_399 : i32
      %mul3A_401 = arith.constant 32 : i32
      %mul3A_402 = arith.muli %sub3A_400, %mul3A_401 : i32
      %add3A_403 = arith.addi %add3A, %mul3A_402 : i32
      %mul3A_404 = arith.constant 80 : i32
      %mul3A_405 = arith.muli %add3A_403, %mul3A_404 : i32
      %dma_wait3A_406 = arith.constant 0 : i32
      %dma_wait3A_407 = tpu.memref_slice %arg4[%mul3A_405, %dma_wait3A_406] : memref<100000x128xf32, #tpu.memory_space<hbm>> -> memref<80x128xf32, #tpu.memory_space<hbm>>
      %dma_wait3A_408 = arith.constant 0 : i32
      %dma_wait3A_409 = tpu.memref_slice %arg4[%mul3A_405, %dma_wait3A_408] : memref<100000x128xf32, #tpu.memory_space<hbm>> -> memref<80x128xf32, #tpu.memory_space<hbm>>
      tpu.wait_dma2 semaphore(%arg24 : memref<!tpu.dma_semaphore, #tpu.memory_space<semaphore_mem>>) src(%arg12 : memref<80x128xf32, #tpu.memory_space<vmem>>) dst(%dma_wait3A_409 : memref<80x128xf32, #tpu.memory_space<hbm>>)
      %add3A_410 = arith.constant 3 : i32
      %add3A_411 = arith.addi %add3A_383, %add3A_410 : i32
      %dma_start3A_412 = arith.constant 0 : i32
      %dma_start3A_413 = tpu.memref_slice %arg6[%add3A_411, %dma_start3A_412] : memref<40x80xi32, #tpu.memory_space<vmem>> -> memref<1x80xi32, #tpu.memory_space<vmem>>
      %dma_start3A_414 = tpu.memref_squeeze %dma_start3A_413 : memref<1x80xi32, #tpu.memory_space<vmem>> -> memref<80xi32, #tpu.memory_space<vmem>>
      %dma_start3A_415 = arith.constant 0 : i32
      %dma_start3A_416 = arith.constant 0 : i32
      %dma_start3A_417 = tpu.memref_slice %arg5[%dma_start3A_415, %dma_start3A_416] : memref<65x128xf32, #tpu.memory_space<vmem_shared>> -> memref<65x128xf32, #tpu.memory_space<vmem_shared>>
      tpu.enqueue_indirect_dma source(%dma_start3A_417 : memref<65x128xf32, #tpu.memory_space<vmem_shared>>) target(%arg12 : memref<80x128xf32, #tpu.memory_space<vmem>>) offsets(%dma_start3A_414 : memref<80xi32, #tpu.memory_space<vmem>>) semaphore(%arg18 : memref<!tpu.dma_semaphore, #tpu.memory_space<semaphore_mem>>)
      %add3A_418 = arith.constant 3 : i32
      %add3A_419 = arith.addi %mul3A_310, %add3A_418 : i32
      %dma_wait3A_420 = arith.constant 0 : i32
      %dma_wait3A_421 = tpu.memref_slice %arg6[%add3A_419, %dma_wait3A_420] : memref<40x80xi32, #tpu.memory_space<vmem>> -> memref<1x80xi32, #tpu.memory_space<vmem>>
      %dma_wait3A_422 = tpu.memref_squeeze %dma_wait3A_421 : memref<1x80xi32, #tpu.memory_space<vmem>> -> memref<80xi32, #tpu.memory_space<vmem>>
      %dma_wait3A_423 = arith.constant 0 : i32
      %dma_wait3A_424 = arith.constant 0 : i32
      %dma_wait3A_425 = tpu.memref_slice %arg5[%dma_wait3A_423, %dma_wait3A_424] : memref<65x128xf32, #tpu.memory_space<vmem_shared>> -> memref<65x128xf32, #tpu.memory_space<vmem_shared>>
      tpu.wait_indirect_dma semaphore(%arg16 : memref<!tpu.dma_semaphore, #tpu.memory_space<semaphore_mem>>) src(%dma_wait3A_425 : memref<65x128xf32, #tpu.memory_space<vmem_shared>>) dst(%arg10 : memref<80x128xf32, #tpu.memory_space<vmem>>)
      %mul3A_426 = arith.constant 32 : i32
      %mul3A_427 = arith.muli %add3A_419, %mul3A_426 : i32
      %add3A_428 = arith.addi %add3A, %mul3A_427 : i32
      %mul3A_429 = arith.constant 80 : i32
      %mul3A_430 = arith.muli %add3A_428, %mul3A_429 : i32
      %dma_start3A_431 = arith.constant 0 : i32
      %dma_start3A_432 = tpu.memref_slice %arg4[%mul3A_430, %dma_start3A_431] : memref<100000x128xf32, #tpu.memory_space<hbm>> -> memref<80x128xf32, #tpu.memory_space<hbm>>
      %dma_start3A_433 = arith.constant 0 : i32
      %dma_start3A_434 = tpu.memref_slice %arg4[%mul3A_430, %dma_start3A_433] : memref<100000x128xf32, #tpu.memory_space<hbm>> -> memref<80x128xf32, #tpu.memory_space<hbm>>
      tpu.enqueue_dma source(%arg10 : memref<80x128xf32, #tpu.memory_space<vmem>>) target(%dma_start3A_434 : memref<80x128xf32, #tpu.memory_space<hbm>>) target_semaphore(%arg22 : memref<!tpu.dma_semaphore, #tpu.memory_space<semaphore_mem>>)
      %sub3A_435 = arith.constant 3 : i32
      %sub3A_436 = arith.subi %add3A_419, %sub3A_435 : i32
      %mul3A_437 = arith.constant 32 : i32
      %mul3A_438 = arith.muli %sub3A_436, %mul3A_437 : i32
      %add3A_439 = arith.addi %add3A, %mul3A_438 : i32
      %mul3A_440 = arith.constant 80 : i32
      %mul3A_441 = arith.muli %add3A_439, %mul3A_440 : i32
      %dma_wait3A_442 = arith.constant 0 : i32
      %dma_wait3A_443 = tpu.memref_slice %arg4[%mul3A_441, %dma_wait3A_442] : memref<100000x128xf32, #tpu.memory_space<hbm>> -> memref<80x128xf32, #tpu.memory_space<hbm>>
      %dma_wait3A_444 = arith.constant 0 : i32
      %dma_wait3A_445 = tpu.memref_slice %arg4[%mul3A_441, %dma_wait3A_444] : memref<100000x128xf32, #tpu.memory_space<hbm>> -> memref<80x128xf32, #tpu.memory_space<hbm>>
      tpu.wait_dma2 semaphore(%arg19 : memref<!tpu.dma_semaphore, #tpu.memory_space<semaphore_mem>>) src(%arg7 : memref<80x128xf32, #tpu.memory_space<vmem>>) dst(%dma_wait3A_445 : memref<80x128xf32, #tpu.memory_space<hbm>>)
      %add3A_446 = arith.constant 3 : i32
      %add3A_447 = arith.addi %add3A_419, %add3A_446 : i32
      %dma_start3A_448 = arith.constant 0 : i32
      %dma_start3A_449 = tpu.memref_slice %arg6[%add3A_447, %dma_start3A_448] : memref<40x80xi32, #tpu.memory_space<vmem>> -> memref<1x80xi32, #tpu.memory_space<vmem>>
      %dma_start3A_450 = tpu.memref_squeeze %dma_start3A_449 : memref<1x80xi32, #tpu.memory_space<vmem>> -> memref<80xi32, #tpu.memory_space<vmem>>
      %dma_start3A_451 = arith.constant 0 : i32
      %dma_start3A_452 = arith.constant 0 : i32
      %dma_start3A_453 = tpu.memref_slice %arg5[%dma_start3A_451, %dma_start3A_452] : memref<65x128xf32, #tpu.memory_space<vmem_shared>> -> memref<65x128xf32, #tpu.memory_space<vmem_shared>>
      tpu.enqueue_indirect_dma source(%dma_start3A_453 : memref<65x128xf32, #tpu.memory_space<vmem_shared>>) target(%arg7 : memref<80x128xf32, #tpu.memory_space<vmem>>) offsets(%dma_start3A_450 : memref<80xi32, #tpu.memory_space<vmem>>) semaphore(%arg13 : memref<!tpu.dma_semaphore, #tpu.memory_space<semaphore_mem>>)
      %add3A_454 = arith.constant 4 : i32
      %add3A_455 = arith.addi %mul3A_310, %add3A_454 : i32
      %dma_wait3A_456 = arith.constant 0 : i32
      %dma_wait3A_457 = tpu.memref_slice %arg6[%add3A_455, %dma_wait3A_456] : memref<40x80xi32, #tpu.memory_space<vmem>> -> memref<1x80xi32, #tpu.memory_space<vmem>>
      %dma_wait3A_458 = tpu.memref_squeeze %dma_wait3A_457 : memref<1x80xi32, #tpu.memory_space<vmem>> -> memref<80xi32, #tpu.memory_space<vmem>>
      %dma_wait3A_459 = arith.constant 0 : i32
      %dma_wait3A_460 = arith.constant 0 : i32
      %dma_wait3A_461 = tpu.memref_slice %arg5[%dma_wait3A_459, %dma_wait3A_460] : memref<65x128xf32, #tpu.memory_space<vmem_shared>> -> memref<65x128xf32, #tpu.memory_space<vmem_shared>>
      tpu.wait_indirect_dma semaphore(%arg17 : memref<!tpu.dma_semaphore, #tpu.memory_space<semaphore_mem>>) src(%dma_wait3A_461 : memref<65x128xf32, #tpu.memory_space<vmem_shared>>) dst(%arg11 : memref<80x128xf32, #tpu.memory_space<vmem>>)
      %mul3A_462 = arith.constant 32 : i32
      %mul3A_463 = arith.muli %add3A_455, %mul3A_462 : i32
      %add3A_464 = arith.addi %add3A, %mul3A_463 : i32
      %mul3A_465 = arith.constant 80 : i32
      %mul3A_466 = arith.muli %add3A_464, %mul3A_465 : i32
      %dma_start3A_467 = arith.constant 0 : i32
      %dma_start3A_468 = tpu.memref_slice %arg4[%mul3A_466, %dma_start3A_467] : memref<100000x128xf32, #tpu.memory_space<hbm>> -> memref<80x128xf32, #tpu.memory_space<hbm>>
      %dma_start3A_469 = arith.constant 0 : i32
      %dma_start3A_470 = tpu.memref_slice %arg4[%mul3A_466, %dma_start3A_469] : memref<100000x128xf32, #tpu.memory_space<hbm>> -> memref<80x128xf32, #tpu.memory_space<hbm>>
      tpu.enqueue_dma source(%arg11 : memref<80x128xf32, #tpu.memory_space<vmem>>) target(%dma_start3A_470 : memref<80x128xf32, #tpu.memory_space<hbm>>) target_semaphore(%arg23 : memref<!tpu.dma_semaphore, #tpu.memory_space<semaphore_mem>>)
      %sub3A_471 = arith.constant 3 : i32
      %sub3A_472 = arith.subi %add3A_455, %sub3A_471 : i32
      %mul3A_473 = arith.constant 32 : i32
      %mul3A_474 = arith.muli %sub3A_472, %mul3A_473 : i32
      %add3A_475 = arith.addi %add3A, %mul3A_474 : i32
      %mul3A_476 = arith.constant 80 : i32
      %mul3A_477 = arith.muli %add3A_475, %mul3A_476 : i32
      %dma_wait3A_478 = arith.constant 0 : i32
      %dma_wait3A_479 = tpu.memref_slice %arg4[%mul3A_477, %dma_wait3A_478] : memref<100000x128xf32, #tpu.memory_space<hbm>> -> memref<80x128xf32, #tpu.memory_space<hbm>>
      %dma_wait3A_480 = arith.constant 0 : i32
      %dma_wait3A_481 = tpu.memref_slice %arg4[%mul3A_477, %dma_wait3A_480] : memref<100000x128xf32, #tpu.memory_space<hbm>> -> memref<80x128xf32, #tpu.memory_space<hbm>>
      tpu.wait_dma2 semaphore(%arg20 : memref<!tpu.dma_semaphore, #tpu.memory_space<semaphore_mem>>) src(%arg8 : memref<80x128xf32, #tpu.memory_space<vmem>>) dst(%dma_wait3A_481 : memref<80x128xf32, #tpu.memory_space<hbm>>)
      %add3A_482 = arith.constant 3 : i32
      %add3A_483 = arith.addi %add3A_455, %add3A_482 : i32
      %dma_start3A_484 = arith.constant 0 : i32
      %dma_start3A_485 = tpu.memref_slice %arg6[%add3A_483, %dma_start3A_484] : memref<40x80xi32, #tpu.memory_space<vmem>> -> memref<1x80xi32, #tpu.memory_space<vmem>>
      %dma_start3A_486 = tpu.memref_squeeze %dma_start3A_485 : memref<1x80xi32, #tpu.memory_space<vmem>> -> memref<80xi32, #tpu.memory_space<vmem>>
      %dma_start3A_487 = arith.constant 0 : i32
      %dma_start3A_488 = arith.constant 0 : i32
      %dma_start3A_489 = tpu.memref_slice %arg5[%dma_start3A_487, %dma_start3A_488] : memref<65x128xf32, #tpu.memory_space<vmem_shared>> -> memref<65x128xf32, #tpu.memory_space<vmem_shared>>
      tpu.enqueue_indirect_dma source(%dma_start3A_489 : memref<65x128xf32, #tpu.memory_space<vmem_shared>>) target(%arg8 : memref<80x128xf32, #tpu.memory_space<vmem>>) offsets(%dma_start3A_486 : memref<80xi32, #tpu.memory_space<vmem>>) semaphore(%arg14 : memref<!tpu.dma_semaphore, #tpu.memory_space<semaphore_mem>>)
      %add3A_490 = arith.constant 5 : i32
      %add3A_491 = arith.addi %mul3A_310, %add3A_490 : i32
      %dma_wait3A_492 = arith.constant 0 : i32
      %dma_wait3A_493 = tpu.memref_slice %arg6[%add3A_491, %dma_wait3A_492] : memref<40x80xi32, #tpu.memory_space<vmem>> -> memref<1x80xi32, #tpu.memory_space<vmem>>
      %dma_wait3A_494 = tpu.memref_squeeze %dma_wait3A_493 : memref<1x80xi32, #tpu.memory_space<vmem>> -> memref<80xi32, #tpu.memory_space<vmem>>
      %dma_wait3A_495 = arith.constant 0 : i32
      %dma_wait3A_496 = arith.constant 0 : i32
      %dma_wait3A_497 = tpu.memref_slice %arg5[%dma_wait3A_495, %dma_wait3A_496] : memref<65x128xf32, #tpu.memory_space<vmem_shared>> -> memref<65x128xf32, #tpu.memory_space<vmem_shared>>
      tpu.wait_indirect_dma semaphore(%arg18 : memref<!tpu.dma_semaphore, #tpu.memory_space<semaphore_mem>>) src(%dma_wait3A_497 : memref<65x128xf32, #tpu.memory_space<vmem_shared>>) dst(%arg12 : memref<80x128xf32, #tpu.memory_space<vmem>>)
      %mul3A_498 = arith.constant 32 : i32
      %mul3A_499 = arith.muli %add3A_491, %mul3A_498 : i32
      %add3A_500 = arith.addi %add3A, %mul3A_499 : i32
      %mul3A_501 = arith.constant 80 : i32
      %mul3A_502 = arith.muli %add3A_500, %mul3A_501 : i32
      %dma_start3A_503 = arith.constant 0 : i32
      %dma_start3A_504 = tpu.memref_slice %arg4[%mul3A_502, %dma_start3A_503] : memref<100000x128xf32, #tpu.memory_space<hbm>> -> memref<80x128xf32, #tpu.memory_space<hbm>>
      %dma_start3A_505 = arith.constant 0 : i32
      %dma_start3A_506 = tpu.memref_slice %arg4[%mul3A_502, %dma_start3A_505] : memref<100000x128xf32, #tpu.memory_space<hbm>> -> memref<80x128xf32, #tpu.memory_space<hbm>>
      tpu.enqueue_dma source(%arg12 : memref<80x128xf32, #tpu.memory_space<vmem>>) target(%dma_start3A_506 : memref<80x128xf32, #tpu.memory_space<hbm>>) target_semaphore(%arg24 : memref<!tpu.dma_semaphore, #tpu.memory_space<semaphore_mem>>)
      %sub3A_507 = arith.constant 3 : i32
      %sub3A_508 = arith.subi %add3A_491, %sub3A_507 : i32
      %mul3A_509 = arith.constant 32 : i32
      %mul3A_510 = arith.muli %sub3A_508, %mul3A_509 : i32
      %add3A_511 = arith.addi %add3A, %mul3A_510 : i32
      %mul3A_512 = arith.constant 80 : i32
      %mul3A_513 = arith.muli %add3A_511, %mul3A_512 : i32
      %dma_wait3A_514 = arith.constant 0 : i32
      %dma_wait3A_515 = tpu.memref_slice %arg4[%mul3A_513, %dma_wait3A_514] : memref<100000x128xf32, #tpu.memory_space<hbm>> -> memref<80x128xf32, #tpu.memory_space<hbm>>
      %dma_wait3A_516 = arith.constant 0 : i32
      %dma_wait3A_517 = tpu.memref_slice %arg4[%mul3A_513, %dma_wait3A_516] : memref<100000x128xf32, #tpu.memory_space<hbm>> -> memref<80x128xf32, #tpu.memory_space<hbm>>
      tpu.wait_dma2 semaphore(%arg21 : memref<!tpu.dma_semaphore, #tpu.memory_space<semaphore_mem>>) src(%arg9 : memref<80x128xf32, #tpu.memory_space<vmem>>) dst(%dma_wait3A_517 : memref<80x128xf32, #tpu.memory_space<hbm>>)
      %add3A_518 = arith.constant 3 : i32
      %add3A_519 = arith.addi %add3A_491, %add3A_518 : i32
      %dma_start3A_520 = arith.constant 0 : i32
      %dma_start3A_521 = tpu.memref_slice %arg6[%add3A_519, %dma_start3A_520] : memref<40x80xi32, #tpu.memory_space<vmem>> -> memref<1x80xi32, #tpu.memory_space<vmem>>
      %dma_start3A_522 = tpu.memref_squeeze %dma_start3A_521 : memref<1x80xi32, #tpu.memory_space<vmem>> -> memref<80xi32, #tpu.memory_space<vmem>>
      %dma_start3A_523 = arith.constant 0 : i32
      %dma_start3A_524 = arith.constant 0 : i32
      %dma_start3A_525 = tpu.memref_slice %arg5[%dma_start3A_523, %dma_start3A_524] : memref<65x128xf32, #tpu.memory_space<vmem_shared>> -> memref<65x128xf32, #tpu.memory_space<vmem_shared>>
      tpu.enqueue_indirect_dma source(%dma_start3A_525 : memref<65x128xf32, #tpu.memory_space<vmem_shared>>) target(%arg9 : memref<80x128xf32, #tpu.memory_space<vmem>>) offsets(%dma_start3A_522 : memref<80xi32, #tpu.memory_space<vmem>>) semaphore(%arg15 : memref<!tpu.dma_semaphore, #tpu.memory_space<semaphore_mem>>)
    }
    %scan3A_205 = arith.constant 5 : i32
    %add3A_206 = arith.constant 1056 : i32
    %add3A_207 = arith.addi %add3A, %add3A_206 : i32
    %mul3A_208 = arith.constant 80 : i32
    %mul3A_209 = arith.muli %add3A_207, %mul3A_208 : i32
    %dma_wait3A_210 = arith.constant 0 : i32
    %dma_wait3A_211 = tpu.memref_slice %arg4[%mul3A_209, %dma_wait3A_210] : memref<100000x128xf32, #tpu.memory_space<hbm>> -> memref<80x128xf32, #tpu.memory_space<hbm>>
    %dma_wait3A_212 = arith.constant 0 : i32
    %dma_wait3A_213 = tpu.memref_slice %arg4[%mul3A_209, %dma_wait3A_212] : memref<100000x128xf32, #tpu.memory_space<hbm>> -> memref<80x128xf32, #tpu.memory_space<hbm>>
    tpu.wait_dma2 semaphore(%arg22 : memref<!tpu.dma_semaphore, #tpu.memory_space<semaphore_mem>>) src(%arg10 : memref<80x128xf32, #tpu.memory_space<vmem>>) dst(%dma_wait3A_213 : memref<80x128xf32, #tpu.memory_space<hbm>>)
    %convert_element_type3A_214 = arith.extui %lt3A_1 : i1 to i32
    %cond3A_215 = arith.constant 0 : i32
    %cond3A_216 = arith.cmpi ne, %convert_element_type3A_214, %cond3A_215 : i32
    scf.if %cond3A_216 {
      %dma_start3A_308 = arith.constant 39 : i32
      %dma_start3A_309 = arith.constant 0 : i32
      %dma_start3A_310 = tpu.memref_slice %arg6[%dma_start3A_308, %dma_start3A_309] : memref<40x80xi32, #tpu.memory_space<vmem>> -> memref<1x80xi32, #tpu.memory_space<vmem>>
      %dma_start3A_311 = tpu.memref_squeeze %dma_start3A_310 : memref<1x80xi32, #tpu.memory_space<vmem>> -> memref<80xi32, #tpu.memory_space<vmem>>
      %dma_start3A_312 = arith.constant 0 : i32
      %dma_start3A_313 = arith.constant 0 : i32
      %dma_start3A_314 = tpu.memref_slice %arg5[%dma_start3A_312, %dma_start3A_313] : memref<65x128xf32, #tpu.memory_space<vmem_shared>> -> memref<65x128xf32, #tpu.memory_space<vmem_shared>>
      tpu.enqueue_indirect_dma source(%dma_start3A_314 : memref<65x128xf32, #tpu.memory_space<vmem_shared>>) target(%arg10 : memref<80x128xf32, #tpu.memory_space<vmem>>) offsets(%dma_start3A_311 : memref<80xi32, #tpu.memory_space<vmem>>) semaphore(%arg16 : memref<!tpu.dma_semaphore, #tpu.memory_space<semaphore_mem>>)
    } else {
    }
    %dma_wait3A_217 = arith.constant 36 : i32
    %dma_wait3A_218 = arith.constant 0 : i32
    %dma_wait3A_219 = tpu.memref_slice %arg6[%dma_wait3A_217, %dma_wait3A_218] : memref<40x80xi32, #tpu.memory_space<vmem>> -> memref<1x80xi32, #tpu.memory_space<vmem>>
    %dma_wait3A_220 = tpu.memref_squeeze %dma_wait3A_219 : memref<1x80xi32, #tpu.memory_space<vmem>> -> memref<80xi32, #tpu.memory_space<vmem>>
    %dma_wait3A_221 = arith.constant 0 : i32
    %dma_wait3A_222 = arith.constant 0 : i32
    %dma_wait3A_223 = tpu.memref_slice %arg5[%dma_wait3A_221, %dma_wait3A_222] : memref<65x128xf32, #tpu.memory_space<vmem_shared>> -> memref<65x128xf32, #tpu.memory_space<vmem_shared>>
    tpu.wait_indirect_dma semaphore(%arg13 : memref<!tpu.dma_semaphore, #tpu.memory_space<semaphore_mem>>) src(%dma_wait3A_223 : memref<65x128xf32, #tpu.memory_space<vmem_shared>>) dst(%arg7 : memref<80x128xf32, #tpu.memory_space<vmem>>)
    %add3A_224 = arith.constant 1152 : i32
    %add3A_225 = arith.addi %add3A, %add3A_224 : i32
    %mul3A_226 = arith.constant 80 : i32
    %mul3A_227 = arith.muli %add3A_225, %mul3A_226 : i32
    %dma_start3A_228 = arith.constant 0 : i32
    %dma_start3A_229 = tpu.memref_slice %arg4[%mul3A_227, %dma_start3A_228] : memref<100000x128xf32, #tpu.memory_space<hbm>> -> memref<80x128xf32, #tpu.memory_space<hbm>>
    %dma_start3A_230 = arith.constant 0 : i32
    %dma_start3A_231 = tpu.memref_slice %arg4[%mul3A_227, %dma_start3A_230] : memref<100000x128xf32, #tpu.memory_space<hbm>> -> memref<80x128xf32, #tpu.memory_space<hbm>>
    tpu.enqueue_dma source(%arg7 : memref<80x128xf32, #tpu.memory_space<vmem>>) target(%dma_start3A_231 : memref<80x128xf32, #tpu.memory_space<hbm>>) target_semaphore(%arg19 : memref<!tpu.dma_semaphore, #tpu.memory_space<semaphore_mem>>)
    %dma_wait3A_232 = arith.constant 37 : i32
    %dma_wait3A_233 = arith.constant 0 : i32
    %dma_wait3A_234 = tpu.memref_slice %arg6[%dma_wait3A_232, %dma_wait3A_233] : memref<40x80xi32, #tpu.memory_space<vmem>> -> memref<1x80xi32, #tpu.memory_space<vmem>>
    %dma_wait3A_235 = tpu.memref_squeeze %dma_wait3A_234 : memref<1x80xi32, #tpu.memory_space<vmem>> -> memref<80xi32, #tpu.memory_space<vmem>>
    %dma_wait3A_236 = arith.constant 0 : i32
    %dma_wait3A_237 = arith.constant 0 : i32
    %dma_wait3A_238 = tpu.memref_slice %arg5[%dma_wait3A_236, %dma_wait3A_237] : memref<65x128xf32, #tpu.memory_space<vmem_shared>> -> memref<65x128xf32, #tpu.memory_space<vmem_shared>>
    tpu.wait_indirect_dma semaphore(%arg14 : memref<!tpu.dma_semaphore, #tpu.memory_space<semaphore_mem>>) src(%dma_wait3A_238 : memref<65x128xf32, #tpu.memory_space<vmem_shared>>) dst(%arg8 : memref<80x128xf32, #tpu.memory_space<vmem>>)
    %add3A_239 = arith.constant 1184 : i32
    %add3A_240 = arith.addi %add3A, %add3A_239 : i32
    %mul3A_241 = arith.constant 80 : i32
    %mul3A_242 = arith.muli %add3A_240, %mul3A_241 : i32
    %dma_start3A_243 = arith.constant 0 : i32
    %dma_start3A_244 = tpu.memref_slice %arg4[%mul3A_242, %dma_start3A_243] : memref<100000x128xf32, #tpu.memory_space<hbm>> -> memref<80x128xf32, #tpu.memory_space<hbm>>
    %dma_start3A_245 = arith.constant 0 : i32
    %dma_start3A_246 = tpu.memref_slice %arg4[%mul3A_242, %dma_start3A_245] : memref<100000x128xf32, #tpu.memory_space<hbm>> -> memref<80x128xf32, #tpu.memory_space<hbm>>
    tpu.enqueue_dma source(%arg8 : memref<80x128xf32, #tpu.memory_space<vmem>>) target(%dma_start3A_246 : memref<80x128xf32, #tpu.memory_space<hbm>>) target_semaphore(%arg20 : memref<!tpu.dma_semaphore, #tpu.memory_space<semaphore_mem>>)
    %dma_wait3A_247 = arith.constant 38 : i32
    %dma_wait3A_248 = arith.constant 0 : i32
    %dma_wait3A_249 = tpu.memref_slice %arg6[%dma_wait3A_247, %dma_wait3A_248] : memref<40x80xi32, #tpu.memory_space<vmem>> -> memref<1x80xi32, #tpu.memory_space<vmem>>
    %dma_wait3A_250 = tpu.memref_squeeze %dma_wait3A_249 : memref<1x80xi32, #tpu.memory_space<vmem>> -> memref<80xi32, #tpu.memory_space<vmem>>
    %dma_wait3A_251 = arith.constant 0 : i32
    %dma_wait3A_252 = arith.constant 0 : i32
    %dma_wait3A_253 = tpu.memref_slice %arg5[%dma_wait3A_251, %dma_wait3A_252] : memref<65x128xf32, #tpu.memory_space<vmem_shared>> -> memref<65x128xf32, #tpu.memory_space<vmem_shared>>
    tpu.wait_indirect_dma semaphore(%arg15 : memref<!tpu.dma_semaphore, #tpu.memory_space<semaphore_mem>>) src(%dma_wait3A_253 : memref<65x128xf32, #tpu.memory_space<vmem_shared>>) dst(%arg9 : memref<80x128xf32, #tpu.memory_space<vmem>>)
    %add3A_254 = arith.constant 1216 : i32
    %add3A_255 = arith.addi %add3A, %add3A_254 : i32
    %mul3A_256 = arith.constant 80 : i32
    %mul3A_257 = arith.muli %add3A_255, %mul3A_256 : i32
    %dma_start3A_258 = arith.constant 0 : i32
    %dma_start3A_259 = tpu.memref_slice %arg4[%mul3A_257, %dma_start3A_258] : memref<100000x128xf32, #tpu.memory_space<hbm>> -> memref<80x128xf32, #tpu.memory_space<hbm>>
    %dma_start3A_260 = arith.constant 0 : i32
    %dma_start3A_261 = tpu.memref_slice %arg4[%mul3A_257, %dma_start3A_260] : memref<100000x128xf32, #tpu.memory_space<hbm>> -> memref<80x128xf32, #tpu.memory_space<hbm>>
    tpu.enqueue_dma source(%arg9 : memref<80x128xf32, #tpu.memory_space<vmem>>) target(%dma_start3A_261 : memref<80x128xf32, #tpu.memory_space<hbm>>) target_semaphore(%arg21 : memref<!tpu.dma_semaphore, #tpu.memory_space<semaphore_mem>>)
    %add3A_262 = arith.constant 1088 : i32
    %add3A_263 = arith.addi %add3A, %add3A_262 : i32
    %mul3A_264 = arith.constant 80 : i32
    %mul3A_265 = arith.muli %add3A_263, %mul3A_264 : i32
    %dma_wait3A_266 = arith.constant 0 : i32
    %dma_wait3A_267 = tpu.memref_slice %arg4[%mul3A_265, %dma_wait3A_266] : memref<100000x128xf32, #tpu.memory_space<hbm>> -> memref<80x128xf32, #tpu.memory_space<hbm>>
    %dma_wait3A_268 = arith.constant 0 : i32
    %dma_wait3A_269 = tpu.memref_slice %arg4[%mul3A_265, %dma_wait3A_268] : memref<100000x128xf32, #tpu.memory_space<hbm>> -> memref<80x128xf32, #tpu.memory_space<hbm>>
    tpu.wait_dma2 semaphore(%arg23 : memref<!tpu.dma_semaphore, #tpu.memory_space<semaphore_mem>>) src(%arg11 : memref<80x128xf32, #tpu.memory_space<vmem>>) dst(%dma_wait3A_269 : memref<80x128xf32, #tpu.memory_space<hbm>>)
    %add3A_270 = arith.constant 1120 : i32
    %add3A_271 = arith.addi %add3A, %add3A_270 : i32
    %mul3A_272 = arith.constant 80 : i32
    %mul3A_273 = arith.muli %add3A_271, %mul3A_272 : i32
    %dma_wait3A_274 = arith.constant 0 : i32
    %dma_wait3A_275 = tpu.memref_slice %arg4[%mul3A_273, %dma_wait3A_274] : memref<100000x128xf32, #tpu.memory_space<hbm>> -> memref<80x128xf32, #tpu.memory_space<hbm>>
    %dma_wait3A_276 = arith.constant 0 : i32
    %dma_wait3A_277 = tpu.memref_slice %arg4[%mul3A_273, %dma_wait3A_276] : memref<100000x128xf32, #tpu.memory_space<hbm>> -> memref<80x128xf32, #tpu.memory_space<hbm>>
    tpu.wait_dma2 semaphore(%arg24 : memref<!tpu.dma_semaphore, #tpu.memory_space<semaphore_mem>>) src(%arg12 : memref<80x128xf32, #tpu.memory_space<vmem>>) dst(%dma_wait3A_277 : memref<80x128xf32, #tpu.memory_space<hbm>>)
    %convert_element_type3A_278 = arith.extui %lt3A_1 : i1 to i32
    %cond3A_279 = arith.constant 0 : i32
    %cond3A_280 = arith.cmpi ne, %convert_element_type3A_278, %cond3A_279 : i32
    scf.if %cond3A_280 {
      %dma_wait3A_308 = arith.constant 39 : i32
      %dma_wait3A_309 = arith.constant 0 : i32
      %dma_wait3A_310 = tpu.memref_slice %arg6[%dma_wait3A_308, %dma_wait3A_309] : memref<40x80xi32, #tpu.memory_space<vmem>> -> memref<1x80xi32, #tpu.memory_space<vmem>>
      %dma_wait3A_311 = tpu.memref_squeeze %dma_wait3A_310 : memref<1x80xi32, #tpu.memory_space<vmem>> -> memref<80xi32, #tpu.memory_space<vmem>>
      %dma_wait3A_312 = arith.constant 0 : i32
      %dma_wait3A_313 = arith.constant 0 : i32
      %dma_wait3A_314 = tpu.memref_slice %arg5[%dma_wait3A_312, %dma_wait3A_313] : memref<65x128xf32, #tpu.memory_space<vmem_shared>> -> memref<65x128xf32, #tpu.memory_space<vmem_shared>>
      tpu.wait_indirect_dma semaphore(%arg16 : memref<!tpu.dma_semaphore, #tpu.memory_space<semaphore_mem>>) src(%dma_wait3A_314 : memref<65x128xf32, #tpu.memory_space<vmem_shared>>) dst(%arg10 : memref<80x128xf32, #tpu.memory_space<vmem>>)
      %add3A_315 = arith.constant 1248 : i32
      %add3A_316 = arith.addi %add3A, %add3A_315 : i32
      %mul3A_317 = arith.constant 80 : i32
      %mul3A_318 = arith.muli %add3A_316, %mul3A_317 : i32
      %dma_start3A_319 = arith.constant 0 : i32
      %dma_start3A_320 = tpu.memref_slice %arg4[%mul3A_318, %dma_start3A_319] : memref<100000x128xf32, #tpu.memory_space<hbm>> -> memref<80x128xf32, #tpu.memory_space<hbm>>
      %dma_start3A_321 = arith.constant 0 : i32
      %dma_start3A_322 = tpu.memref_slice %arg4[%mul3A_318, %dma_start3A_321] : memref<100000x128xf32, #tpu.memory_space<hbm>> -> memref<80x128xf32, #tpu.memory_space<hbm>>
      tpu.enqueue_dma source(%arg10 : memref<80x128xf32, #tpu.memory_space<vmem>>) target(%dma_start3A_322 : memref<80x128xf32, #tpu.memory_space<hbm>>) target_semaphore(%arg22 : memref<!tpu.dma_semaphore, #tpu.memory_space<semaphore_mem>>)
    } else {
    }
    %add3A_281 = arith.constant 1152 : i32
    %add3A_282 = arith.addi %add3A, %add3A_281 : i32
    %mul3A_283 = arith.constant 80 : i32
    %mul3A_284 = arith.muli %add3A_282, %mul3A_283 : i32
    %dma_wait3A_285 = arith.constant 0 : i32
    %dma_wait3A_286 = tpu.memref_slice %arg4[%mul3A_284, %dma_wait3A_285] : memref<100000x128xf32, #tpu.memory_space<hbm>> -> memref<80x128xf32, #tpu.memory_space<hbm>>
    %dma_wait3A_287 = arith.constant 0 : i32
    %dma_wait3A_288 = tpu.memref_slice %arg4[%mul3A_284, %dma_wait3A_287] : memref<100000x128xf32, #tpu.memory_space<hbm>> -> memref<80x128xf32, #tpu.memory_space<hbm>>
    tpu.wait_dma2 semaphore(%arg19 : memref<!tpu.dma_semaphore, #tpu.memory_space<semaphore_mem>>) src(%arg7 : memref<80x128xf32, #tpu.memory_space<vmem>>) dst(%dma_wait3A_288 : memref<80x128xf32, #tpu.memory_space<hbm>>)
    %add3A_289 = arith.constant 1184 : i32
    %add3A_290 = arith.addi %add3A, %add3A_289 : i32
    %mul3A_291 = arith.constant 80 : i32
    %mul3A_292 = arith.muli %add3A_290, %mul3A_291 : i32
    %dma_wait3A_293 = arith.constant 0 : i32
    %dma_wait3A_294 = tpu.memref_slice %arg4[%mul3A_292, %dma_wait3A_293] : memref<100000x128xf32, #tpu.memory_space<hbm>> -> memref<80x128xf32, #tpu.memory_space<hbm>>
    %dma_wait3A_295 = arith.constant 0 : i32
    %dma_wait3A_296 = tpu.memref_slice %arg4[%mul3A_292, %dma_wait3A_295] : memref<100000x128xf32, #tpu.memory_space<hbm>> -> memref<80x128xf32, #tpu.memory_space<hbm>>
    tpu.wait_dma2 semaphore(%arg20 : memref<!tpu.dma_semaphore, #tpu.memory_space<semaphore_mem>>) src(%arg8 : memref<80x128xf32, #tpu.memory_space<vmem>>) dst(%dma_wait3A_296 : memref<80x128xf32, #tpu.memory_space<hbm>>)
    %add3A_297 = arith.constant 1216 : i32
    %add3A_298 = arith.addi %add3A, %add3A_297 : i32
    %mul3A_299 = arith.constant 80 : i32
    %mul3A_300 = arith.muli %add3A_298, %mul3A_299 : i32
    %dma_wait3A_301 = arith.constant 0 : i32
    %dma_wait3A_302 = tpu.memref_slice %arg4[%mul3A_300, %dma_wait3A_301] : memref<100000x128xf32, #tpu.memory_space<hbm>> -> memref<80x128xf32, #tpu.memory_space<hbm>>
    %dma_wait3A_303 = arith.constant 0 : i32
    %dma_wait3A_304 = tpu.memref_slice %arg4[%mul3A_300, %dma_wait3A_303] : memref<100000x128xf32, #tpu.memory_space<hbm>> -> memref<80x128xf32, #tpu.memory_space<hbm>>
    tpu.wait_dma2 semaphore(%arg21 : memref<!tpu.dma_semaphore, #tpu.memory_space<semaphore_mem>>) src(%arg9 : memref<80x128xf32, #tpu.memory_space<vmem>>) dst(%dma_wait3A_304 : memref<80x128xf32, #tpu.memory_space<hbm>>)
    %convert_element_type3A_305 = arith.extui %lt3A_1 : i1 to i32
    %cond3A_306 = arith.constant 0 : i32
    %cond3A_307 = arith.cmpi ne, %convert_element_type3A_305, %cond3A_306 : i32
    scf.if %cond3A_307 {
      %add3A_308 = arith.constant 1248 : i32
      %add3A_309 = arith.addi %add3A, %add3A_308 : i32
      %mul3A_310 = arith.constant 80 : i32
      %mul3A_311 = arith.muli %add3A_309, %mul3A_310 : i32
      %dma_wait3A_312 = arith.constant 0 : i32
      %dma_wait3A_313 = tpu.memref_slice %arg4[%mul3A_311, %dma_wait3A_312] : memref<100000x128xf32, #tpu.memory_space<hbm>> -> memref<80x128xf32, #tpu.memory_space<hbm>>
      %dma_wait3A_314 = arith.constant 0 : i32
      %dma_wait3A_315 = tpu.memref_slice %arg4[%mul3A_311, %dma_wait3A_314] : memref<100000x128xf32, #tpu.memory_space<hbm>> -> memref<80x128xf32, #tpu.memory_space<hbm>>
      tpu.wait_dma2 semaphore(%arg22 : memref<!tpu.dma_semaphore, #tpu.memory_space<semaphore_mem>>) src(%arg10 : memref<80x128xf32, #tpu.memory_space<vmem>>) dst(%dma_wait3A_315 : memref<80x128xf32, #tpu.memory_space<hbm>>)
    } else {
    }
    return
  }
}

</mosaic_0001>

<sc_bundles>
// kernel: kernel.3.cloned.1.call-start
scs
__scs_entry_jumppad:
0x0: {  	(pc) =	sbr.rel $0x88, $3  }
0x1: {  	(tag) =	ssettag $0x0;
	lr =	simm.s32 $0x1  }
0x2: {  	[smem:$0x3F9F] =	sst lr;
	_ =	strace $0xD0000000  }
0x3: {  	_ = 	snop  }
0x4: {  	_ = 	snop  }
0x5: {  	_ = 	snop  }
0x6: {  	_ = 	snop  }
0x7: {  	_ = 	snop  }
__scs_overlays_trampoline_lowered:
0x8: {  	[smem:$0x3FAE] =	sst s0  }
0x9: {  	[smem:$0x3FAF] =	sst s1  }
0xa: {  	[smem:$0x3FB0] =	sst s2  }
0xb: {  	[smem:$0x3FB1] =	sst s3  }
0xc: {  	[smem:$0x3FB2] =	sst s4  }
0xd: {  	[smem:$0x3FB3] =	sst s5  }
0xe: {  	[smem:$0x3FB4] =	sst s6  }
0xf: {  	[smem:$0x3FB5] =	sst s7  }
0x10: {  	[smem:$0x3FB6] =	sst s8  }
0x11: {  	[smem:$0x3FB7] =	sst s9;
	s0 =	simm.s32 @!p0 $0x0  }
0x12: {  	s1 =	sld [smem:$0x3F9D];
	s0 =	simm.s32 @p0 $0x1  }
0x13: {  	[smem:$0x3FB8] =	sst s0;
	s0 =	simm.s32 @!p1 $0x0  }
0x14: {  	s2 =	sld [smem:$0x3F9C];
	s0 =	simm.s32 @p1 $0x1  }
0x15: {  	[smem:$0x3FB9] =	sst s0;
	s0 =	simm.s32 @!p2 $0x0  }
0x16: {  	s3 =	sld [smem:$0x3FDB];
	s0 =	simm.s32 @p2 $0x1  }
0x17: {  	s4 =	simm.s32 $0x1BF5;
	[smem:$0x3FBB] =	sst s0  }
0x18: {  	s0 =	sld [smem:$0x3F9E];
	_ =	swait.ge [sflag:s4], $0x0  }
0x19: {  	s7 =	sld [smem:$0x3F9F]  }
0x1a: {  	s8 =	sadd.s32 $0xFFFFE003, lr  }
0x1b: {  	s9 =	sadd.s32 $0xFFFFFEF7, lr;
	s5 =	simm.s32 $0xFFFFFFFF;
	p2 =	slt.u32 s8, $0xFFFFF086  }
0x1c: {  	p1 =	slt.u32 s9, $0xF7A;
	s5 =	simm.s32 @!p2 $0x0  }
0x1d: {  	s5 =	simm.s32 @p1 $0x1;
	p0 =	seq.s32 s7, s2  }
0x1e: {  	s7 =	smul.u32 @!p0 $0xF7A, s2;
	p2 =	seq.s32 @!p0 s5, $0x0  }
0x1f: {  	s9 =	smul.u32 $0xF7A, s1;
	s8 =	simm.s32 @!p0 $0x1BF5;
	p2 =	por !p2, p0  }
0x20: {  	[sflag:s8] =	ssyncset.s32 @!p0 $0xFFFFF086;
	s6 =	sadd.s32 @!p0 s3, s7;
	s7 =	simm.s32 @!p0 $0x108  }
0x21: {  	s3 =	sadd.s32 s3, s9;
	s6 =	sadd.s32 @!p0 $0x88, s6;
	s7 =	simm.s32 @p2 $0x1082  }
0x22: {  	[simem:s7], [sflag:s8] =	dma.local @!p0 [hbm:s6], $0xF7A  }
0x23: {  	s9 =	sor.u32 $0xD0000000, s2;
	s6 =	simm.s32 $0x108;
	_ =	swait.ge @!p0 [sflag:s8], $0x0  }
0x24: {  	s3 =	sadd.s32 $0x88, s3;
	s6 =	simm.s32 @!p1 $0x1082;
	[sflag:s4] =	ssyncset.s32 $0xFFFFF086  }
0x25: {  	[simem:s6], [sflag:s4] =	dma.local [hbm:s3], $0xF7A  }
0x26: {  	[smem:$0x3F9F] =	sst s1;
	(tag) =	ssettag s2;
	_ =	strace s9  }
0x27: {  	s1 =	sld [smem:$0x3FAF]  }
0x28: {  	s2 =	sld [smem:$0x3FB0]  }
0x29: {  	s4 =	sld [smem:$0x3FB2]  }
0x2a: {  	p0 =	seq.s32 s5, $0x0;
	s5 =	sld [smem:$0x3FB3]  }
0x2b: {  	s6 =	sld [smem:$0x3FB4]  }
0x2c: {  	s7 =	sld [smem:$0x3FB5]  }
0x2d: {  	s3 =	simm.s32 $0x108;
	s8 =	sld [smem:$0x3FB6]  }
0x2e: {  	s3 =	simm.s32 @!p0 $0x1082;
	s9 =	sld [smem:$0x3FB7]  }
0x2f: {  	lr =	sadd.s32 s0, s3;
	s0 =	sld [smem:$0x3FAE]  }
0x30: {  	s3 =	sld [smem:$0x3FB1]  }
0x31: {  	[smem:$0x3FBA] =	sst s10  }
0x32: {  	s10 =	sld [smem:$0x3FB8];
	_ =	sdelay $0x3  }
0x33: {  	p0 =	seq.s32 s10, $0x1;
	s10 =	sld [smem:$0x3FBA];
	_ =	sdelay $0x3  }
0x34: {  	[smem:$0x3FBA] =	sst s10  }
0x35: {  	s10 =	sld [smem:$0x3FB9];
	_ =	sdelay $0x3  }
0x36: {  	p1 =	seq.s32 s10, $0x1;
	s10 =	sld [smem:$0x3FBA];
	_ =	sdelay $0x3  }
0x37: {  	[smem:$0x3FBA] =	sst s10  }
0x38: {  	s10 =	sld [smem:$0x3FBB]  }
0x39: {  	_ = 	snop;
	(pc) =	sbr.ind lr, $3  }
0x3a: {  	_ = 	snop  }
0x3b: {  	_ = 	snop  }
0x3c: {  	p2 =	seq.s32 s10, $0x1;
	s10 =	sld [smem:$0x3FBA]  }
0x3d: {  	_ =	shalt  }
0x3e: {  	_ =	shalt  }
0x3f: {  	_ =	shalt  }
0x40: {  	_ =	shalt  }
0x41: {  	_ =	shalt  }
0x42: {  	_ =	shalt  }
0x43: {  	_ =	shalt  }
0x44: {  	_ =	shalt  }
0x45: {  	_ =	shalt  }
0x46: {  	_ =	shalt  }
0x47: {  	_ =	shalt  }
0x48: {  	_ =	shalt  }
0x49: {  	_ =	shalt  }
0x4a: {  	_ =	shalt  }
0x4b: {  	_ =	shalt  }
0x4c: {  	_ =	shalt  }
0x4d: {  	_ =	shalt  }
0x4e: {  	_ =	shalt  }
0x4f: {  	_ =	shalt  }
0x50: {  	_ =	shalt  }
0x51: {  	_ =	shalt  }
0x52: {  	_ =	shalt  }
0x53: {  	_ =	shalt  }
0x54: {  	_ =	shalt  }
0x55: {  	_ =	shalt  }
0x56: {  	_ =	shalt  }
0x57: {  	_ =	shalt  }
0x58: {  	_ =	shalt  }
0x59: {  	_ =	shalt  }
0x5a: {  	_ =	shalt  }
0x5b: {  	_ =	shalt  }
0x5c: {  	_ =	shalt  }
0x5d: {  	_ =	shalt  }
0x5e: {  	_ =	shalt  }
0x5f: {  	_ =	shalt  }
0x60: {  	_ =	shalt  }
0x61: {  	_ =	shalt  }
0x62: {  	_ =	shalt  }
0x63: {  	_ =	shalt  }
0x64: {  	_ =	shalt  }
0x65: {  	_ =	shalt  }
0x66: {  	_ =	shalt  }
0x67: {  	_ =	shalt  }
0x68: {  	_ =	shalt  }
0x69: {  	_ =	shalt  }
0x6a: {  	_ =	shalt  }
0x6b: {  	_ =	shalt  }
0x6c: {  	_ =	shalt  }
0x6d: {  	_ =	shalt  }
0x6e: {  	_ =	shalt  }
0x6f: {  	_ =	shalt  }
0x70: {  	_ =	shalt  }
0x71: {  	_ =	shalt  }
0x72: {  	_ =	shalt  }
0x73: {  	_ =	shalt  }
0x74: {  	_ =	shalt  }
0x75: {  	_ =	shalt  }
0x76: {  	_ =	shalt  }
0x77: {  	_ =	shalt  }
0x78: {  	_ =	shalt  }
0x79: {  	_ =	shalt  }
0x7a: {  	_ =	shalt  }
0x7b: {  	_ =	shalt  }
0x7c: {  	_ =	shalt  }
0x7d: {  	_ =	shalt  }
0x7e: {  	_ =	shalt  }
0x7f: {  	_ =	shalt  }
0x80: {  	_ =	shalt  }
0x81: {  	_ =	shalt  }
0x82: {  	_ =	shalt  }
0x83: {  	_ =	shalt  }
0x84: {  	_ =	shalt  }
0x85: {  	_ =	shalt  }
0x86: {  	_ =	shalt  }
0x87: {  	_ =	shalt  }
.Lfunc_end0:
.L_simem_size_0:
called_computation_lowered:
.L_overlay_start_0:
0x88: {  	s2 =	sld [smem:$0x3FD9]  }
0x89: {  	s3 =	sld [smem:$0x3FFE];
	_ =	sdelay $0x1  }
0x8a: {  	s1 =	srdreg.scid  }
0x8b: {  	s0 =	sand.u32 $0x1, s1  }
0x8c: {  	s18 =	sshll.u32 s0, $0xA;
	s2 =	sadd.s32 s3, s2  }
0x8d: {  	s2 =	sadd.s32 s2, s18  }
0x8e: {  	[smem:$0x3FC6] =	sst s2  }
0x8f: {  	_ = 	snop  }
0x90: {  	s2 =	sld [smem:$0x3FC9]  }
0x91: {  	s19 =	sld [smem:$0x3FC8]  }
0x92: {  	s4 =	sld [smem:$0x3FD0];
	(tm) =	ssettm $0x1  }
0x93: {  	s5 =	sld [smem:$0x3FFB];
	_ =	sdelay $0x3  }
0x94: {  	_ =	strace s5  }
0x95: {  	s5 =	sld [smem:$0x3FFC];
	_ =	sdelay $0x3  }
0x96: {  	_ =	strace s5  }
0x97: {  	s5 =	sld [smem:$0x3FFD];
	_ =	sdelay $0x3  }
0x98: {  	_ =	strace s5  }
0x99: {  	_ =	strace $0x8FFFFFFF  }
0x9a: {  	s20 =	sld [smem:$0x3FDB];
	_ =	sdelay $0x1  }
0x9b: {  	s6 =	simm.s32 $_scs_section_size  }
0x9c: {  	s7 =	simm.s32 $_size__tile_overlayer_lowered;
	s8 =	simm.s32 $_tile_overlayer_lowered  }
0x9d: {  	s23 =	simm.s32 $0x1BFF;
	s22 =	sshll.u32 s8, $0x1;
	s5 =	sadd.s32 s6, s20  }
0x9e: {  	s9 =	simm.s32 $0x0;
	s21 =	sshll.u32 s7, $0x1;
	s7 =	sadd.s32 s22, s5  }
0x9f: {  	[timem:s9], [sflag:s23] =	dma.local [hbm:s7], s21  }
0xa0: {  	_ =	swait.ge [sflag:s23], s21  }
0xa1: {  	s6 =	ssub.s32 $0x0, s21;
	[sflag:s23] =	ssyncset.done $0x0  }
0xa2: {  	[sflag:s23] =	ssyncadd.s32 s6;
	_ =	sdelay $0x1  }
0xa3: {  	s24 =	simm.s32 $0x1B8B  }
0xa4: {  	_ =	swait.ge [sflag:s24], $0x1  }
0xa5: {  	[sflag:s24] =	ssyncset.done $0x0  }
0xa6: {  	s25 =	simm.s32 $0x1B8E;
	[sflag:s24] =	ssyncadd.s32 $0xFFFFFFFF  }
0xa7: {  	s26 =	simm.s32 $execute0_lowered;
	[smem:$0x3FD2] =	sst s25  }
0xa8: {  	s6 =	sshll.u32 s26, $0x1;
	_ =	strace $0x80000046;
	[dreg:$0x1] =	wrdreg $0xFFFFFFFF  }
0xa9: {  	s28 =	simm.s32 $_size_execute0_lowered;
	s5 =	sadd.s32 s5, s6;
	[dreg:$0x0] =	wrdreg $0x0  }
0xaa: {  	s6 =	sshll.u32 s28, $0x1;
	[dreg:$0x2] =	wrdreg s5  }
0xab: {  	[dreg:$0x3] =	wrdreg s6  }
0xac: {  	[dreg:$0x4] =	wrdreg $0xC0  }
0xad: {  	_ =	task [dreg:s9], $0x5FFFF  }
0xae: {  	[dreg:$0x1] =	wrdreg $0xFFFFFFFF  }
0xaf: {  	[dreg:$0x0] =	wrdreg $0x60  }
0xb0: {  	[dreg:$0x2] =	wrdreg s19  }
0xb1: {  	[dreg:$0x3] =	wrdreg s2  }
0xb2: {  	[dreg:$0x4] =	wrdreg s4  }
0xb3: {  	[dreg:$0x5] =	wrdreg $0x0  }
0xb4: {  	[dreg:$0x6] =	wrdreg $0x9  }
0xb5: {  	_ =	task.clear_ibuf [dreg:s9], $0x7FFFF;
	_ =	strace $0x90000046  }
0xb6: {  	s29 =	simm.s32 $0x9;
	_ =	strace $0x80000048  }
0xb7: {  	_ =	swait.ge [sflag:s29], $0x1  }
0xb8: {  	[sflag:s29] =	ssyncadd.s32 $0xFFFFFFFF  }
0xb9: {  	_ =	strace $0x90000048  }
0xba: {  	_ =	sfence  }
0xbb: {  	s30 =	sld [smem:$0x0];
	_ =	sdelay $0x2  }
0xbc: {  	s31 =	sshll.u32 s1, $0xD;
	s1 =	sshrl.u32 s1, $0x2  }
0xbd: {  	s3 =	sand.u32 $0x4000, s31;
	s1 =	sadd.s32 s1, s30  }
0xbe: {  	s0 =	sor.u32 s3, s0;
	s1 =	sshll.u32 s1, $0x11  }
0xbf: {  	s0 =	sor.u32 s1, s0  }
0xc0: {  	s0 =	sadd.s32 $0x8F2B, s0  }
0xc1: {  	[sflag:s0] =	ssyncadd.remote.s32 $0x1  }
0xc2: {  	_ =	sfence.sel $0xFFFF  }
0xc3: {  	[dreg:$0x0] =	wrdreg $0xFFFFFFFF;
	(pc) =	sbr.abs _section_cstart, $3  }
0xc4: {  	[dreg:$0x1] =	wrdreg $0xFFFFFFFF  }
0xc5: {  	_ =	task.clear_ibuf [dreg:s9], $0x2FFFF;
	_ =	strace $0x9FFFFFFF  }
0xc6: {  	(tm) =	ssettm $0x7FFFFFFF  }
0xc7: {  	_ =	shalt  }
tec
execute0_lowered:
.L_overlay_start_1:
0x0: {  	(tag) =	ssettag $0x1  }
0x1: {  	s0 =	rddreg [dreg:$0x1]  }
0x2: {  	s1 =	srdreg.scid;
	s5 =	rddreg [dreg:$0x2]  }
0x3: {  	s4 =	stileid.u32;
	s2 =	rddreg [dreg:$0x3];
	s29 =	simm.s32 $0x8E08  }
0x4: {  	s30 =	simm.s32 $0x2;
	s28 =	simm.s32 $0x4;
	s21 =	smul.u32 $0xA0, s4  }
0x5: {  	s31 =	simm.s32 $0x7;
	s1 =	sand.u32 $0x1, s1;
	s25 =	smul.u32 $0xA00, s4  }
0x6: {  	s3 =	sshll.u32 s4, $0x1;
	p0 =	sne.s32 s4, $0x0;
	s23 =	smul.u32 $0x50, s1  }
0x7: {  	s6 =	sor.u32 s1, s3;
	s8 =	ssub.s32 $0x2, s1;
	s1 =	smul.u32 $0x500, s1  }
0x8: {  	s4 =	simm.s32 $0x8;
	s3 =	simm.s32 $0x0;
	s7 =	smul.u32 $0x2800, s6  }
0x9: {  	[smem:$0x7FF] =	sst s3;
	s9 =	sshrl.u32 s8, $0x1;
	s6 =	smul.u32 $0x500, s6  }
0xa: {  	_ =	strace $0x80000047;
	s8 =	ssub.s32 s8, s9;
	s9 =	sadd.s32 $0x80, s2  }
0xb: {  	s7 =	sshrl.u32 s7, $0x3;
	s6 =	sadd.s32 s5, s6;
	s26 =	smax.u32 s8, $0x1  }
0xc: {  	s17 =	sshrl.u32 @!p0 s9, $0x3;
	s7 =	sadd.s32 s7, s5;
	[dreg:$0x5] =	wrdreg s6  }
0xd: {  	s8 =	simm.s32 $0xB;
	[dreg:$0xf] =	wrdreg s26;
	s18 =	sadd.s32 $0xA000, s7  }
0xe: {  	s9 =	simm.s32 $0xC;
	s19 =	sadd.s32 $0x14000, s7;
	[dreg:$0x6] =	wrdreg s18  }
0xf: {  	s6 =	sadd.s32 s23, s21;
	s20 =	sadd.s32 $0x1E000, s7;
	[dreg:$0x7] =	wrdreg s19  }
0x10: {  	s5 =	sadd.s32 s25, s5;
	s10 =	sadd.s32 $0x28000, s7;
	[dreg:$0x8] =	wrdreg s20  }
0x11: {  	s21 =	simm.s32 $0x1608;
	s22 =	sadd.s32 $0x32000, s7;
	[dreg:$0x9] =	wrdreg s10  }
0x12: {  	s23 =	simm.s32 $0x3E08;
	s11 =	sadd.s32 $0x168000, s7;
	[dreg:$0xa] =	wrdreg s22  }
0x13: {  	s25 =	simm.s32 $0x6608;
	s24 =	sadd.s32 $0x172000, s7;
	[dreg:$0xb] =	wrdreg s11  }
0x14: {  	s26 =	simm.s32 $0x1;
	s12 =	sadd.s32 $0x17C000, s7;
	[dreg:$0xc] =	wrdreg s24  }
0x15: {  	s7 =	sadd.s32 $0x186000, s7;
	s6 =	sshrl.u32 s6, $0x3;
	[dreg:$0xd] =	wrdreg s12  }
0x16: {  	s1 =	sadd.s32 s1, s5;
	s5 =	simm.s32 $0x6;
	[dreg:$0xe] =	wrdreg s7  }
0x17: {  	s14 =	sadd.s32 s6, s0;
	s16 =	sadd.s32 $0x3C000, s1;
	s18 =	simm.s32 $0xD  }
0x18: {  	s19 =	simm.s32 $0x50;
	s20 =	simm.s32 $0x208;
	s1 =	simm.s32 $0xB608  }
0x19: {  	s0 =	simm.s32 $0x3;
	s24 =	simm.s32 $0xDE08;
	s22 =	simm.s32 $0x5  }
0x1a: {  	s6 =	simm.s32 $0x9;
	s7 =	simm.s32 $0xA;
	s10 =	simm.s32 $0x0  }
.LBB2_1:
0x1b: {  	s11 =	simm.s32 @!p0 $0x1C0E;
	s12 =	rddreg [dreg:$0x0]  }
0x1c: {  	[spmem:s17], [sflag:s11] =	dma.local @!p0 [hbm:s12], $0x400  }
0x1d: {  	s11 =	simm.s32 @!p0 $0x28  }
0x1e: {  	s11 =	simm.s32 @p0 $0x27  }
0x1f: {  	p1 =	sne.s32 s11, $0x1  }
.Ltmp0:
0x20: {  	s12 =	simm.s32 @!p0 $0xE;
	(pc) =	sbr.rel @!p1 .LBB2_3-.Ltmp0, $4  }
0x21: {  	_ =	swait.ge @!p0 [sflag:s12], $0x400  }
0x22: {  	s13 =	simm.s32 $0x208;
	[sflag:s12] =	ssyncset.done @!p0 $0x0  }
0x23: {  	s15 =	smov.u32 s14;
	[sflag:s12] =	ssyncadd.s32 @!p0 $0xFFFFFC00;
	s12 =	sadd.s32 $0xFFFFFFFF, s11  }
0x24: {  	[tilespmem:s20], [sflag:$0xD] =	stream.linear.gather [hbm4b:s14+s3], $0x50, $0x38;
	[tilespmem:$0x10608] =	vst v63  }
.LBB2_2:
0x25: {  	p2 =	sne.s32 s12, $0x1  }
.Ltmp1:
0x26: {  	_ = 	snop;
	(pc) =	sbr.rel @p2 .LBB2_2-.Ltmp1, $4  }
0x27: {  	_ = 	snop  }
0x28: {  	s13 =	sadd.s32 $0x80, s13;
	s15 =	sadd.s32 $0x140, s15  }
0x29: {  	s12 =	sadd.s32 $0xFFFFFFFF, s12  }
0x2a: {  	[tilespmem:s13], [sflag:$0xD] =	stream.linear.gather [hbm4b:s15+s3], $0x50, $0x38;
	[tilespmem:$0x10608] =	vst v63  }
.LBB2_3:
.Ltmp2:
0x2b: {  	(pc) =	sbr.rel @!p1 .LBB2_5-.Ltmp2, $4  }
0x2c: {  	_ = 	snop  }
0x2d: {  	[bflag:$0x0] =	sbarrier.arrive $0xFFFF  }
0x2e: {  	_ =	swait.ge [sflag:s18], $0x50  }
0x2f: {  	s11 =	sadd.s32 $0xFFFFFFFF, s11;
	[sflag:s18] =	ssyncset.done $0x0  }
.LBB2_4:
0x30: {  	p1 =	sne.s32 s11, $0x1;
	s11 =	sadd.s32 $0xFFFFFFFF, s11;
	[sflag:s18] =	ssyncadd.s32 $0xFFFFFFB0  }
.Ltmp3:
0x31: {  	(pc) =	sbr.rel @p1 .LBB2_4-.Ltmp3, $3  }
0x32: {  	_ =	sdelay $0x1  }
0x33: {  	_ =	swait.ge [sflag:s18], $0x50  }
0x34: {  	[sflag:s18] =	ssyncset.done $0x0  }
.LBB2_5:
0x35: {  	[sflag:s18] =	ssyncadd.s32 $0xFFFFFFB0  }
0x36: {  	[tilespmem:s21], [sflag:$0x1] =	stream.indirect.gather [spmem:s2], $0x80, s20, s19, $0xb8;
	[tilespmem:$0x10608] =	vst v63  }
0x37: {  	s11 =	simm.s32 $0x288  }
0x38: {  	[tilespmem:s23], [sflag:$0x2] =	stream.indirect.gather [spmem:s2], $0x80, s11, s19, $0xb8;
	[tilespmem:$0x10608] =	vst v63  }
0x39: {  	s12 =	simm.s32 $0x308  }
0x3a: {  	[tilespmem:s25], [sflag:$0x3] =	stream.indirect.gather [spmem:s2], $0x80, s12, s19, $0xb8;
	[tilespmem:$0x10608] =	vst v63  }
0x3b: {  	_ =	swait.ge [sflag:s26], $0x2800  }
0x3c: {  	[sflag:s26] =	ssyncset.done $0x0  }
0x3d: {  	s11 =	simm.s32 $0x0;
	s12 =	rddreg [dreg:$0x5];
	[sflag:s26] =	ssyncadd.s32 $0xFFFFD800  }
0x3e: {  	[hbm4b:s12+s11] =	stream.linear.scatter [tilespmem:s21], [sflag:$0x7], $0x2800, $0x38;
	[tilespmem:$0x10608] =	vst v63  }
0x3f: {  	s13 =	simm.s32 $0x388  }
0x40: {  	[tilespmem:s29], [sflag:$0x4] =	stream.indirect.gather [spmem:s2], $0x80, s13, s19, $0xb8;
	[tilespmem:$0x10608] =	vst v63  }
0x41: {  	_ =	swait.ge [sflag:s30], $0x2800  }
0x42: {  	[sflag:s30] =	ssyncset.done $0x0  }
0x43: {  	s15 =	rddreg [dreg:$0x6];
	[sflag:s30] =	ssyncadd.s32 $0xFFFFD800  }
0x44: {  	[hbm4b:s15+s11] =	stream.linear.scatter [tilespmem:s23], [sflag:$0x8], $0x2800, $0x38;
	[tilespmem:$0x10608] =	vst v63  }
0x45: {  	s13 =	simm.s32 $0x408  }
0x46: {  	[tilespmem:s1], [sflag:$0x5] =	stream.indirect.gather [spmem:s2], $0x80, s13, s19, $0xb8;
	[tilespmem:$0x10608] =	vst v63  }
0x47: {  	_ =	swait.ge [sflag:s0], $0x2800  }
0x48: {  	[sflag:s0] =	ssyncset.done $0x0  }
0x49: {  	s15 =	rddreg [dreg:$0x7];
	[sflag:s0] =	ssyncadd.s32 $0xFFFFD800  }
0x4a: {  	[hbm4b:s15+s11] =	stream.linear.scatter [tilespmem:s25], [sflag:$0x9], $0x2800, $0x38;
	[tilespmem:$0x10608] =	vst v63  }
0x4b: {  	s13 =	simm.s32 $0x488  }
0x4c: {  	[tilespmem:s24], [sflag:$0x6] =	stream.indirect.gather [spmem:s2], $0x80, s13, s19, $0xb8;
	[tilespmem:$0x10608] =	vst v63  }
0x4d: {  	_ =	swait.ge [sflag:s28], $0x2800  }
0x4e: {  	[sflag:s28] =	ssyncset.done $0x0  }
0x4f: {  	s15 =	rddreg [dreg:$0x8];
	[sflag:s28] =	ssyncadd.s32 $0xFFFFD800  }
0x50: {  	[hbm4b:s15+s11] =	stream.linear.scatter [tilespmem:s29], [sflag:$0xA], $0x2800, $0x38;
	[tilespmem:$0x10608] =	vst v63  }
0x51: {  	_ =	swait.ge [sflag:s31], $0x2800  }
0x52: {  	[sflag:s31] =	ssyncset.done $0x0  }
0x53: {  	s13 =	simm.s32 $0x508;
	[sflag:s31] =	ssyncadd.s32 $0xFFFFD800  }
0x54: {  	[tilespmem:s21], [sflag:$0x1] =	stream.indirect.gather [spmem:s2], $0x80, s13, s19, $0xb8;
	[tilespmem:$0x10608] =	vst v63  }
0x55: {  	_ =	swait.ge [sflag:s22], $0x2800  }
0x56: {  	[sflag:s22] =	ssyncset.done $0x0  }
0x57: {  	s15 =	rddreg [dreg:$0x9];
	[sflag:s22] =	ssyncadd.s32 $0xFFFFD800  }
0x58: {  	[hbm4b:s15+s11] =	stream.linear.scatter [tilespmem:s1], [sflag:$0xB], $0x2800, $0x38;
	[tilespmem:$0x10608] =	vst v63  }
0x59: {  	_ =	swait.ge [sflag:s4], $0x2800  }
0x5a: {  	[sflag:s4] =	ssyncset.done $0x0  }
0x5b: {  	s13 =	simm.s32 $0x588;
	[sflag:s4] =	ssyncadd.s32 $0xFFFFD800  }
0x5c: {  	[tilespmem:s23], [sflag:$0x2] =	stream.indirect.gather [spmem:s2], $0x80, s13, s19, $0xb8;
	[tilespmem:$0x10608] =	vst v63  }
0x5d: {  	_ =	swait.ge [sflag:s5], $0x2800  }
0x5e: {  	[sflag:s5] =	ssyncset.done $0x0  }
0x5f: {  	s15 =	rddreg [dreg:$0xa];
	[sflag:s5] =	ssyncadd.s32 $0xFFFFD800  }
0x60: {  	[hbm4b:s15+s11] =	stream.linear.scatter [tilespmem:s24], [sflag:$0xC], $0x2800, $0x38;
	[tilespmem:$0x10608] =	vst v63  }
0x61: {  	_ =	swait.ge [sflag:s6], $0x2800  }
0x62: {  	[sflag:s6] =	ssyncset.done $0x0  }
0x63: {  	s13 =	simm.s32 $0x608;
	[sflag:s6] =	ssyncadd.s32 $0xFFFFD800  }
0x64: {  	[tilespmem:s25], [sflag:$0x3] =	stream.indirect.gather [spmem:s2], $0x80, s13, s19, $0xb8;
	[tilespmem:$0x10608] =	vst v63  }
0x65: {  	_ =	swait.ge [sflag:s26], $0x2800  }
0x66: {  	[sflag:s26] =	ssyncset.done $0x0  }
0x67: {  	[sflag:s26] =	ssyncadd.s32 $0xFFFFD800  }
0x68: {  	[hbm4b:s16+s3] =	stream.linear.scatter [tilespmem:s21], [sflag:$0x7], $0x2800, $0x38;
	[tilespmem:$0x10608] =	vst v63  }
0x69: {  	_ =	swait.ge [sflag:s7], $0x2800  }
0x6a: {  	[sflag:s7] =	ssyncset.done $0x0  }
0x6b: {  	s15 =	simm.s32 $0x688;
	[sflag:s7] =	ssyncadd.s32 $0xFFFFD800  }
0x6c: {  	[tilespmem:s29], [sflag:$0x4] =	stream.indirect.gather [spmem:s2], $0x80, s15, s19, $0xb8;
	[tilespmem:$0x10608] =	vst v63  }
0x6d: {  	_ =	swait.ge [sflag:s30], $0x2800  }
0x6e: {  	[sflag:s30] =	ssyncset.done $0x0  }
0x6f: {  	s12 =	sadd.s32 $0xA000, s16;
	[sflag:s30] =	ssyncadd.s32 $0xFFFFD800  }
0x70: {  	[hbm4b:s12+s3] =	stream.linear.scatter [tilespmem:s23], [sflag:$0x8], $0x2800, $0x38;
	[tilespmem:$0x10608] =	vst v63  }
0x71: {  	_ =	swait.ge [sflag:s8], $0x2800  }
0x72: {  	[sflag:s8] =	ssyncset.done $0x0  }
0x73: {  	s13 =	simm.s32 $0x708;
	[sflag:s8] =	ssyncadd.s32 $0xFFFFD800  }
0x74: {  	[tilespmem:s1], [sflag:$0x5] =	stream.indirect.gather [spmem:s2], $0x80, s13, s19, $0xb8;
	[tilespmem:$0x10608] =	vst v63  }
0x75: {  	_ =	swait.ge [sflag:s0], $0x2800  }
0x76: {  	[sflag:s0] =	ssyncset.done $0x0  }
0x77: {  	s15 =	sadd.s32 $0x14000, s16;
	[sflag:s0] =	ssyncadd.s32 $0xFFFFD800  }
0x78: {  	[hbm4b:s15+s3] =	stream.linear.scatter [tilespmem:s25], [sflag:$0x9], $0x2800, $0x38;
	[tilespmem:$0x10608] =	vst v63  }
0x79: {  	_ =	swait.ge [sflag:s9], $0x2800  }
0x7a: {  	[sflag:s9] =	ssyncset.done $0x0  }
0x7b: {  	s12 =	simm.s32 $0x788;
	[sflag:s9] =	ssyncadd.s32 $0xFFFFD800  }
0x7c: {  	[tilespmem:s24], [sflag:$0x6] =	stream.indirect.gather [spmem:s2], $0x80, s12, s19, $0xb8;
	[tilespmem:$0x10608] =	vst v63  }
0x7d: {  	_ =	swait.ge [sflag:s28], $0x2800  }
0x7e: {  	[sflag:s28] =	ssyncset.done $0x0  }
0x7f: {  	s13 =	sadd.s32 $0x1E000, s16;
	[sflag:s28] =	ssyncadd.s32 $0xFFFFD800  }
0x80: {  	[hbm4b:s13+s3] =	stream.linear.scatter [tilespmem:s29], [sflag:$0xA], $0x2800, $0x38;
	[tilespmem:$0x10608] =	vst v63  }
0x81: {  	_ =	swait.ge [sflag:s31], $0x2800  }
0x82: {  	[sflag:s31] =	ssyncset.done $0x0  }
0x83: {  	s15 =	simm.s32 $0x808;
	[sflag:s31] =	ssyncadd.s32 $0xFFFFD800  }
0x84: {  	[tilespmem:s21], [sflag:$0x1] =	stream.indirect.gather [spmem:s2], $0x80, s15, s19, $0xb8;
	[tilespmem:$0x10608] =	vst v63  }
0x85: {  	_ =	swait.ge [sflag:s22], $0x2800  }
0x86: {  	[sflag:s22] =	ssyncset.done $0x0  }
0x87: {  	s12 =	sadd.s32 $0x28000, s16;
	[sflag:s22] =	ssyncadd.s32 $0xFFFFD800  }
0x88: {  	[hbm4b:s12+s3] =	stream.linear.scatter [tilespmem:s1], [sflag:$0xB], $0x2800, $0x38;
	[tilespmem:$0x10608] =	vst v63  }
0x89: {  	_ =	swait.ge [sflag:s4], $0x2800  }
0x8a: {  	[sflag:s4] =	ssyncset.done $0x0  }
0x8b: {  	s13 =	simm.s32 $0x888;
	[sflag:s4] =	ssyncadd.s32 $0xFFFFD800  }
0x8c: {  	[tilespmem:s23], [sflag:$0x2] =	stream.indirect.gather [spmem:s2], $0x80, s13, s19, $0xb8;
	[tilespmem:$0x10608] =	vst v63  }
0x8d: {  	_ =	swait.ge [sflag:s5], $0x2800  }
0x8e: {  	[sflag:s5] =	ssyncset.done $0x0  }
0x8f: {  	s15 =	sadd.s32 $0x32000, s16;
	[sflag:s5] =	ssyncadd.s32 $0xFFFFD800  }
0x90: {  	[hbm4b:s15+s3] =	stream.linear.scatter [tilespmem:s24], [sflag:$0xC], $0x2800, $0x38;
	[tilespmem:$0x10608] =	vst v63  }
0x91: {  	_ =	swait.ge [sflag:s6], $0x2800  }
0x92: {  	s11 =	simm.s32 $0xC00;
	[sflag:s6] =	ssyncset.done $0x0  }
0x93: {  	s12 =	sadd.s32 $0x3C000, s16;
	s13 =	simm.s32 $0x908;
	[sflag:s6] =	ssyncadd.s32 $0xFFFFD800  }
.LBB2_6:
0x94: {  	[tilespmem:s25], [sflag:$0x3] =	stream.indirect.gather [spmem:s2], $0x80, s13, s19, $0xb8;
	[tilespmem:$0x10608] =	vst v63  }
0x95: {  	s13 =	smov.u32 s11  }
0x96: {  	p1 =	sne.s32 s11, $0x3000;
	s11 =	sadd.s32 $0xC00, s11;
	_ =	swait.ge [sflag:s26], $0x2800  }
0x97: {  	[sflag:s26] =	ssyncset.done $0x0  }
0x98: {  	[sflag:s26] =	ssyncadd.s32 $0xFFFFD800  }
0x99: {  	[hbm4b:s12+s3] =	stream.linear.scatter [tilespmem:s21], [sflag:$0x7], $0x2800, $0x38;
	[tilespmem:$0x10608] =	vst v63  }
0x9a: {  	_ =	swait.ge [sflag:s7], $0x2800  }
0x9b: {  	s13 =	sshra.s32 s13, $0x2;
	[sflag:s7] =	ssyncset.done $0x0  }
0x9c: {  	s15 =	sadd.s32 $0x688, s13;
	[sflag:s7] =	ssyncadd.s32 $0xFFFFD800  }
0x9d: {  	[tilespmem:s29], [sflag:$0x4] =	stream.indirect.gather [spmem:s2], $0x80, s15, s19, $0xb8;
	[tilespmem:$0x10608] =	vst v63  }
0x9e: {  	_ =	swait.ge [sflag:s30], $0x2800  }
0x9f: {  	[sflag:s30] =	ssyncset.done $0x0  }
0xa0: {  	s15 =	sadd.s32 $0xA000, s12;
	[sflag:s30] =	ssyncadd.s32 $0xFFFFD800  }
0xa1: {  	[hbm4b:s15+s3] =	stream.linear.scatter [tilespmem:s23], [sflag:$0x8], $0x2800, $0x38;
	[tilespmem:$0x10608] =	vst v63  }
0xa2: {  	_ =	swait.ge [sflag:s8], $0x2800  }
0xa3: {  	[sflag:s8] =	ssyncset.done $0x0  }
0xa4: {  	s15 =	sadd.s32 $0x708, s13;
	[sflag:s8] =	ssyncadd.s32 $0xFFFFD800  }
0xa5: {  	[tilespmem:s1], [sflag:$0x5] =	stream.indirect.gather [spmem:s2], $0x80, s15, s19, $0xb8;
	[tilespmem:$0x10608] =	vst v63  }
0xa6: {  	_ =	swait.ge [sflag:s0], $0x2800  }
0xa7: {  	[sflag:s0] =	ssyncset.done $0x0  }
0xa8: {  	s15 =	sadd.s32 $0x14000, s12;
	[sflag:s0] =	ssyncadd.s32 $0xFFFFD800  }
0xa9: {  	[hbm4b:s15+s3] =	stream.linear.scatter [tilespmem:s25], [sflag:$0x9], $0x2800, $0x38;
	[tilespmem:$0x10608] =	vst v63  }
0xaa: {  	_ =	swait.ge [sflag:s9], $0x2800  }
0xab: {  	[sflag:s9] =	ssyncset.done $0x0  }
0xac: {  	s15 =	sadd.s32 $0x788, s13;
	[sflag:s9] =	ssyncadd.s32 $0xFFFFD800  }
0xad: {  	[tilespmem:s24], [sflag:$0x6] =	stream.indirect.gather [spmem:s2], $0x80, s15, s19, $0xb8;
	[tilespmem:$0x10608] =	vst v63  }
0xae: {  	_ =	swait.ge [sflag:s28], $0x2800  }
0xaf: {  	[sflag:s28] =	ssyncset.done $0x0  }
0xb0: {  	s15 =	sadd.s32 $0x1E000, s12;
	[sflag:s28] =	ssyncadd.s32 $0xFFFFD800  }
0xb1: {  	[hbm4b:s15+s3] =	stream.linear.scatter [tilespmem:s29], [sflag:$0xA], $0x2800, $0x38;
	[tilespmem:$0x10608] =	vst v63  }
0xb2: {  	_ =	swait.ge [sflag:s31], $0x2800  }
0xb3: {  	[sflag:s31] =	ssyncset.done $0x0  }
0xb4: {  	s15 =	sadd.s32 $0x808, s13;
	[sflag:s31] =	ssyncadd.s32 $0xFFFFD800  }
0xb5: {  	[tilespmem:s21], [sflag:$0x1] =	stream.indirect.gather [spmem:s2], $0x80, s15, s19, $0xb8;
	[tilespmem:$0x10608] =	vst v63  }
0xb6: {  	_ =	swait.ge [sflag:s22], $0x2800  }
0xb7: {  	[sflag:s22] =	ssyncset.done $0x0  }
0xb8: {  	s15 =	sadd.s32 $0x28000, s12;
	[sflag:s22] =	ssyncadd.s32 $0xFFFFD800  }
0xb9: {  	[hbm4b:s15+s3] =	stream.linear.scatter [tilespmem:s1], [sflag:$0xB], $0x2800, $0x38;
	[tilespmem:$0x10608] =	vst v63  }
0xba: {  	_ =	swait.ge [sflag:s4], $0x2800  }
0xbb: {  	[sflag:s4] =	ssyncset.done $0x0  }
0xbc: {  	s15 =	sadd.s32 $0x888, s13;
	[sflag:s4] =	ssyncadd.s32 $0xFFFFD800  }
0xbd: {  	[tilespmem:s23], [sflag:$0x2] =	stream.indirect.gather [spmem:s2], $0x80, s15, s19, $0xb8;
	[tilespmem:$0x10608] =	vst v63  }
0xbe: {  	_ =	swait.ge [sflag:s5], $0x2800  }
0xbf: {  	[sflag:s5] =	ssyncset.done $0x0  }
.Ltmp4:
0xc0: {  	s15 =	sadd.s32 $0x32000, s12;
	[sflag:s5] =	ssyncadd.s32 $0xFFFFD800;
	(pc) =	sbr.rel @p1 .LBB2_6-.Ltmp4, $4  }
0xc1: {  	[hbm4b:s15+s3] =	stream.linear.scatter [tilespmem:s24], [sflag:$0xC], $0x2800, $0x38;
	[tilespmem:$0x10608] =	vst v63  }
0xc2: {  	_ =	swait.ge [sflag:s6], $0x2800  }
0xc3: {  	[sflag:s6] =	ssyncset.done $0x0  }
0xc4: {  	s13 =	sadd.s32 $0x908, s13;
	s12 =	sadd.s32 $0x3C000, s12;
	[sflag:s6] =	ssyncadd.s32 $0xFFFFD800  }
0xc5: {  	[tilespmem:s25], [sflag:$0x3] =	stream.indirect.gather [spmem:s2], $0x80, s13, s19, $0xb8;
	[tilespmem:$0x10608] =	vst v63  }
0xc6: {  	_ =	swait.ge [sflag:s7], $0x2800  }
0xc7: {  	s11 =	simm.s32 @!p0 $0x50;
	[sflag:s7] =	ssyncset.done $0x0  }
0xc8: {  	s12 =	simm.s32 @!p0 $0x1588;
	s13 =	simm.s32 @!p0 $0x8E08;
	[sflag:s7] =	ssyncadd.s32 $0xFFFFD800  }
0xc9: {  	[tilespmem:s13], [sflag:$0x4] =	stream.indirect.gather @!p0 [spmem:s2], $0x80, s12, s11, $0xb8;
	[tilespmem:$0x10608] =	vst v63  }
0xca: {  	_ =	swait.ge [sflag:s26], $0x2800  }
0xcb: {  	[sflag:s26] =	ssyncset.done $0x0  }
0xcc: {  	s12 =	rddreg [dreg:$0xb];
	[sflag:s26] =	ssyncadd.s32 $0xFFFFD800  }
0xcd: {  	[hbm4b:s12+s3] =	stream.linear.scatter [tilespmem:s21], [sflag:$0x7], $0x2800, $0x38;
	[tilespmem:$0x10608] =	vst v63  }
0xce: {  	_ =	swait.ge [sflag:s30], $0x2800  }
0xcf: {  	[sflag:s30] =	ssyncset.done $0x0  }
0xd0: {  	s15 =	rddreg [dreg:$0xc];
	[sflag:s30] =	ssyncadd.s32 $0xFFFFD800  }
0xd1: {  	[hbm4b:s15+s3] =	stream.linear.scatter [tilespmem:s23], [sflag:$0x8], $0x2800, $0x38;
	[tilespmem:$0x10608] =	vst v63  }
0xd2: {  	_ =	swait.ge [sflag:s0], $0x2800  }
0xd3: {  	[sflag:s0] =	ssyncset.done $0x0  }
0xd4: {  	s12 =	rddreg [dreg:$0xd];
	[sflag:s0] =	ssyncadd.s32 $0xFFFFD800  }
0xd5: {  	[hbm4b:s12+s3] =	stream.linear.scatter [tilespmem:s25], [sflag:$0x9], $0x2800, $0x38;
	[tilespmem:$0x10608] =	vst v63  }
0xd6: {  	_ =	swait.ge [sflag:s8], $0x2800  }
0xd7: {  	[sflag:s8] =	ssyncset.done $0x0  }
0xd8: {  	[sflag:s8] =	ssyncadd.s32 $0xFFFFD800  }
0xd9: {  	_ =	swait.ge [sflag:s9], $0x2800  }
0xda: {  	[sflag:s9] =	ssyncset.done $0x0  }
0xdb: {  	s11 =	simm.s32 @!p0 $0x4;
	[sflag:s9] =	ssyncadd.s32 $0xFFFFD800  }
0xdc: {  	_ =	swait.ge @!p0 [sflag:s11], $0x2800  }
0xdd: {  	[sflag:s11] =	ssyncset.done @!p0 $0x0  }
0xde: {  	s12 =	rddreg [dreg:$0xe];
	[sflag:s11] =	ssyncadd.s32 @!p0 $0xFFFFD800;
	s11 =	simm.s32 @!p0 $0x0  }
0xdf: {  	[hbm4b:s12+s11] =	stream.linear.scatter @!p0 [tilespmem:s13], [sflag:$0xA], $0x2800, $0x38;
	[tilespmem:$0x10608] =	vst v63  }
0xe0: {  	s11 =	simm.s32 @!p0 $0x7  }
0xe1: {  	_ =	swait.ge @!p0 [sflag:s11], $0x2800  }
0xe2: {  	s12 =	simm.s32 @!p0 $0x8;
	[sflag:s11] =	ssyncset.done @!p0 $0x0  }
0xe3: {  	s12 =	simm.s32 @p0 $0x7;
	[sflag:s11] =	ssyncadd.s32 @!p0 $0xFFFFD800  }
0xe4: {  	_ =	swait.ge [sflag:s12], $0x2800  }
0xe5: {  	s11 =	simm.s32 @!p0 $0x9;
	[sflag:s12] =	ssyncset.done $0x0  }
0xe6: {  	s11 =	simm.s32 @p0 $0x8;
	[sflag:s12] =	ssyncadd.s32 $0xFFFFD800  }
0xe7: {  	_ =	swait.ge [sflag:s11], $0x2800  }
0xe8: {  	s12 =	simm.s32 @!p0 $0xA;
	[sflag:s11] =	ssyncset.done $0x0  }
0xe9: {  	s12 =	simm.s32 @p0 $0x9;
	[sflag:s11] =	ssyncadd.s32 $0xFFFFD800  }
0xea: {  	_ =	swait.ge [sflag:s12], $0x2800  }
0xeb: {  	s10 =	sadd.s32 $0x1, s10;
	s15 =	rddreg [dreg:$0xf]  }
0xec: {  	p1 =	sne.s32 s10, s15  }
.Ltmp5:
0xed: {  	_ = 	snop;
	(pc) =	sbr.rel @p1 .LBB2_1-.Ltmp5, $3  }
0xee: {  	_ =	sdelay $0x1  }
0xef: {  	[sflag:s12] =	ssyncset.done $0x0  }
0xf0: {  	[sflag:s12] =	ssyncadd.s32 $0xFFFFD800  }
0xf1: {  	_ =	sfence.sel $0x180000  }
0xf2: {  	[bflag:$0x0] =	sbarrier.arrive $0xFFFF  }
0xf3: {  	_ =	strace $0x90000047  }
0xf4: {  	[bflag:$0x2] =	sbarrier.arrive $0xFFFF  }
0xf5: {  	s0 =	rddreg [dreg:$0x4]  }
0xf6: {  	s0 =	sadd.s32 @!p0 $0x100000, s0  }
0xf7: {  	[sflag:s0] =	ssyncadd.tile.s32 @!p0 $0x1;
	_ =	shalt  }
.Lfunc_end2:
_tile_overlayer_lowered:
.L_overlay_start_2:
0xf8: {  	(tag) =	ssettag $0x2  }
0xf9: {  	s0 =	rddreg [dreg:$0x0];
	s2 =	stileid.u32  }
0xfa: {  	s1 =	rddreg [dreg:$0x1];
	p0 =	sne.s32 s2, $0x0  }
0xfb: {  	s3 =	rddreg [dreg:$0x2];
	[bflag:$0x3] =	sbarrier.arrive $0xFFFF;
	s2 =	simm.s32 @!p0 $0x1C0E  }
0xfc: {  	[timem:s3], [sflag:s2] =	dma.local @!p0 [hbm:s0], s1  }
0xfd: {  	s0 =	simm.s32 @!p0 $0xE  }
0xfe: {  	_ =	swait.ge @!p0 [sflag:s0], s1  }
0xff: {  	s1 =	ssub.s32 @!p0 $0x0, s1;
	[sflag:s0] =	ssyncset.done @!p0 $0x0  }
0x100: {  	[sflag:s0] =	ssyncadd.s32 @!p0 s1  }
0x101: {  	[bflag:$0x3] =	sbarrier.arrive $0xFFFF  }
0x102: {  	_ =	shalt  }

</sc_bundles>
